<compile_context>
chip_gen: v7x
topology: tpu7x:2x2x1
jax: 0.10.2.dev20260603
libtpu: 0.0.44.dev20260713+nightly
codegen_flags: <defaults>
</compile_context>

<pallas_src>
import functools

import jax
import jax.numpy as jnp
from jax import lax
from jax.experimental import pallas as pl
from jax.experimental.pallas import tpu as pltpu
from jax.experimental.pallas import tpu_sc as plsc

_LANES = 16
_JBLK = 8


@functools.lru_cache(maxsize=None)
def _build(batch, seq_len, vocab, hidden):
    info = plsc.get_sparse_core_info()
    num_workers = info.num_cores * info.num_subcores
    assert batch % num_workers == 0
    blk = batch // num_workers
    assert blk % 8 == 0
    ids_per_worker = blk * seq_len
    assert hidden % (_LANES * _JBLK) == 0
    vecs_per_row = hidden // _LANES

    mesh = plsc.VectorSubcoreMesh(core_axis_name="c", subcore_axis_name="s")

    nbuf = 4
    ahead = 2
    cpp = 1
    hblk = blk // cpp
    nsteps = cpp * seq_len

    def body(
        ids_hbm, table_hbm, pos_hbm, out_hbm, idx_v, pos_v, buf, gsem, psem, ssem
    ):
        wid = lax.axis_index("s") * info.num_cores + lax.axis_index("c")
        b0 = wid * blk
        pltpu.sync_copy(
            ids_hbm.at[pl.ds(wid * ids_per_worker, ids_per_worker)], idx_v
        )

        def gather(t, slot):
            idx_slice = idx_v.at[pl.ds(t * hblk, hblk)]
            return pltpu.make_async_copy(
                table_hbm.at[idx_slice], buf.at[slot], gsem.at[slot]
            )

        def posrow(t, slot):
            return pltpu.make_async_copy(
                pos_hbm.at[lax.div(t, cpp)], pos_v.at[slot], psem.at[slot]
            )

        def scatter(t, slot):
            dst = out_hbm.at[
                lax.div(t, cpp), pl.ds(b0 + lax.rem(t, cpp) * hblk, hblk)
            ]
            return pltpu.make_async_copy(buf.at[slot], dst, ssem.at[slot])

        for t in range(ahead):
            gather(t, t).start()
            posrow(t, t).start()

        @pl.loop(0, nsteps)
        def step_loop(t):
            slot = lax.rem(t, nbuf)
            slot2 = lax.rem(t + ahead, nbuf)

            @pl.when(t >= nbuf - ahead)
            def _():
                scatter(t - (nbuf - ahead), slot2).wait()

            @pl.when(t + ahead < nsteps)
            def _():
                gather(t + ahead, slot2).start()
                posrow(t + ahead, slot2).start()

            gather(t, slot).wait()
            posrow(t, slot).wait()

            for jb in range(vecs_per_row // _JBLK):
                pvs = [
                    pos_v[slot, pl.ds((jb * _JBLK + j) * _LANES, _LANES)]
                    for j in range(_JBLK)
                ]

                @plsc.parallel_loop(0, hblk, unroll=4)
                def row_loop(i, pvs=pvs, jb=jb):
                    for j in range(_JBLK):
                        sl = pl.ds((jb * _JBLK + j) * _LANES, _LANES)
                        plsc.addupdate(buf.at[slot, i, sl], pvs[j])

            scatter(t, slot).start()

        for d in range(nbuf - ahead):
            t = nsteps - (nbuf - ahead) + d
            scatter(t, lax.rem(t, nbuf)).wait()

    return pl.kernel(
        body,
        out_type=jax.ShapeDtypeStruct((seq_len, batch, hidden), jnp.float32),
        mesh=mesh,
        scratch_types=[
            pltpu.VMEM((ids_per_worker,), jnp.int32),
            pltpu.VMEM((nbuf, hidden), jnp.float32),
            pltpu.VMEM((nbuf, hblk, hidden), jnp.float32),
            pltpu.SemaphoreType.DMA((nbuf,)),
            pltpu.SemaphoreType.DMA((nbuf,)),
            pltpu.SemaphoreType.DMA((nbuf,)),
        ],
    )


def kernel(input_ids, token_table, pos_table):
    batch, seq_len = input_ids.shape
    vocab, hidden = token_table.shape
    assert seq_len == pos_table.shape[0]
    info = plsc.get_sparse_core_info()
    num_workers = info.num_cores * info.num_subcores
    blk = batch // num_workers
    ids = (
        input_ids.astype(jnp.int32)
        .reshape(num_workers, blk, seq_len)
        .transpose(0, 2, 1)
        .reshape(-1)
    )
    fn = _build(batch, seq_len, vocab, hidden)
    out = fn(ids, token_table, pos_table)
    return out.transpose(1, 0, 2)

# --- scband reference (transcript-rebuilt; emitter-appended) ---
"""Pipeline reference for scband-embedding-78658031058980 (READ-ONLY COPY).

The authoritative reference and input builder live on the scoring server;
editing this copy changes nothing except your own understanding.
"""

import jax, jax.numpy as jnp
import numpy as np

VOCAB = 49408
MAX_POS = 77
HIDDEN = 768
BATCH = 1024

def setup_inputs(seed: int = 0) -> dict:
    key = jax.random.key(seed)
    k1, k2, k3 = jax.random.split(key, 3)
    input_ids = jax.random.randint(k1, (BATCH, MAX_POS), 0, VOCAB, dtype=jnp.int64 if jax.config.jax_enable_x64 else jnp.int32)
    token_table = jax.random.normal(k2, (VOCAB, HIDDEN), dtype=jnp.float32) * 0.02
    pos_table = jax.random.normal(k3, (MAX_POS, HIDDEN), dtype=jnp.float32) * 0.02
    return {"input_ids": input_ids, "token_table": token_table, "pos_table": pos_table}

def reference(input_ids, token_table, pos_table):
    # Faithful to the embedding core of the module:
    #   inputs_embeds = token_embedding(input_ids)
    #   position_embeddings = position_embedding(position_ids)  (position_ids = arange buffer)
    #   embeddings = inputs_embeds + position_embeddings
    seq_len = input_ids.shape[-1]
    position_ids = jnp.arange(seq_len)  # registered buffer position_ids[:, :seq_length]
    inputs_embeds = jnp.take(token_table, input_ids, axis=0)          # [B, L, H] gather
    position_embeddings = jnp.take(pos_table, position_ids, axis=0)   # [L, H] gather
    embeddings = inputs_embeds + position_embeddings[None, :, :]
    return embeddings

if __name__ == "__main__":
    import jax
    _d = setup_inputs()
    print(jax.jit(kernel)(*tuple(_d.values())))

</pallas_src>

<mosaic_0001>
#map = affine_map<(d0, d1) -> (0)>
#map1 = affine_map<(d0, d1) -> (0, 0)>
#map2 = affine_map<(d0, d1) -> (0, 0, 0)>
module attributes {stable_mosaic.version = 14 : i64} {
  func.func @body(%arg0: i32, %arg1: i32, %arg2: memref<78848xi32, #tpu.memory_space<hbm>>, %arg3: memref<49408x768xf32, #tpu.memory_space<hbm>>, %arg4: memref<77x768xf32, #tpu.memory_space<hbm>>, %arg5: memref<77x1024x768xf32, #tpu.memory_space<hbm>>, %arg6: memref<2464xi32, #tpu.memory_space<vmem>>, %arg7: memref<4x768xf32, #tpu.memory_space<vmem>>, %arg8: memref<4x32x768xf32, #tpu.memory_space<vmem>>, %arg9: memref<4x!tpu.dma_semaphore, #tpu.memory_space<semaphore_mem>>, %arg10: memref<4x!tpu.dma_semaphore, #tpu.memory_space<semaphore_mem>>, %arg11: memref<4x!tpu.dma_semaphore, #tpu.memory_space<semaphore_mem>>) attributes {dimension_semantics = [#tpu.dimension_semantics<core_parallel>, #tpu.dimension_semantics<subcore_parallel>], iteration_bounds = array<i64: 2, 16>, scalar_prefetch = 0 : i64, scratch_operands = 6 : i64, tpu.core_type = #tpu.core_type<sc_vector_subcore>, window_params = [{transform_indices = #map}, {transform_indices = #map1}, {transform_indices = #map1}, {transform_indices = #map2}]} {
    %mul3A = arith.constant 2 : i32
    %mul3A_0 = arith.muli %arg1, %mul3A : i32
    %add3A = arith.addi %mul3A_0, %arg0 : i32
    %mul3A_1 = arith.constant 32 : i32
    %mul3A_2 = arith.muli %add3A, %mul3A_1 : i32
    %mul3A_3 = arith.constant 2464 : i32
    %mul3A_4 = arith.muli %add3A, %mul3A_3 : i32
    "tpu.region"() ({
      %run_scoped3A = tpu.sem_alloc : memref<!tpu.dma_semaphore, #tpu.memory_space<semaphore_mem>>
      %dma_start3A_125 = tpu.memref_slice %arg2[%mul3A_4] : memref<78848xi32, #tpu.memory_space<hbm>> -> memref<2464xi32, #tpu.memory_space<hbm>>
      %dma_start3A_126 = tpu.memref_slice %arg2[%mul3A_4] : memref<78848xi32, #tpu.memory_space<hbm>> -> memref<2464xi32, #tpu.memory_space<hbm>>
      tpu.enqueue_dma source(%dma_start3A_126 : memref<2464xi32, #tpu.memory_space<hbm>>) target(%arg6 : memref<2464xi32, #tpu.memory_space<vmem>>) target_semaphore(%run_scoped3A : memref<!tpu.dma_semaphore, #tpu.memory_space<semaphore_mem>>)
      %dma_wait3A_127 = tpu.memref_slice %arg2[%mul3A_4] : memref<78848xi32, #tpu.memory_space<hbm>> -> memref<2464xi32, #tpu.memory_space<hbm>>
      %dma_wait3A_128 = tpu.memref_slice %arg2[%mul3A_4] : memref<78848xi32, #tpu.memory_space<hbm>> -> memref<2464xi32, #tpu.memory_space<hbm>>
      tpu.wait_dma2 semaphore(%run_scoped3A : memref<!tpu.dma_semaphore, #tpu.memory_space<semaphore_mem>>) src(%dma_wait3A_128 : memref<2464xi32, #tpu.memory_space<hbm>>) dst(%arg6 : memref<2464xi32, #tpu.memory_space<vmem>>)
      tpu.yield
    }) : () -> ()
    %dma_start3A = arith.constant 0 : i32
    %dma_start3A_5 = arith.constant 0 : i32
    %dma_start3A_6 = arith.constant 0 : i32
    %dma_start3A_7 = arith.constant 0 : i32
    %dma_start3A_8 = tpu.memref_slice %arg8[%dma_start3A, %dma_start3A_6, %dma_start3A_7] : memref<4x32x768xf32, #tpu.memory_space<vmem>> -> memref<1x32x768xf32, #tpu.memory_space<vmem>>
    %dma_start3A_9 = tpu.memref_squeeze %dma_start3A_8 : memref<1x32x768xf32, #tpu.memory_space<vmem>> -> memref<32x768xf32, #tpu.memory_space<vmem>>
    %dma_start3A_10 = arith.constant 0 : i32
    %dma_start3A_11 = tpu.memref_slice %arg6[%dma_start3A_10] : memref<2464xi32, #tpu.memory_space<vmem>> -> memref<32xi32, #tpu.memory_space<vmem>>
    %dma_start3A_12 = arith.constant 0 : i32
    %dma_start3A_13 = arith.constant 0 : i32
    %dma_start3A_14 = tpu.memref_slice %arg3[%dma_start3A_12, %dma_start3A_13] : memref<49408x768xf32, #tpu.memory_space<hbm>> -> memref<49408x768xf32, #tpu.memory_space<hbm>>
    %dma_start3A_15 = tpu.memref_slice %arg9[%dma_start3A_5] : memref<4x!tpu.dma_semaphore, #tpu.memory_space<semaphore_mem>> -> memref<1x!tpu.dma_semaphore, #tpu.memory_space<semaphore_mem>>
    %dma_start3A_16 = tpu.memref_squeeze %dma_start3A_15 : memref<1x!tpu.dma_semaphore, #tpu.memory_space<semaphore_mem>> -> memref<!tpu.dma_semaphore, #tpu.memory_space<semaphore_mem>>
    tpu.enqueue_indirect_dma source(%dma_start3A_14 : memref<49408x768xf32, #tpu.memory_space<hbm>>) target(%dma_start3A_9 : memref<32x768xf32, #tpu.memory_space<vmem>>) offsets(%dma_start3A_11 : memref<32xi32, #tpu.memory_space<vmem>>) semaphore(%dma_start3A_16 : memref<!tpu.dma_semaphore, #tpu.memory_space<semaphore_mem>>)
    %div3A = arith.constant 0 : i32
    %div3A_17 = arith.constant 1 : i32
    %div3A_18 = arith.divsi %div3A, %div3A_17 : i32
    %dma_start3A_19 = arith.constant 0 : i32
    %dma_start3A_20 = arith.constant 0 : i32
    %dma_start3A_21 = arith.constant 0 : i32
    %dma_start3A_22 = tpu.memref_slice %arg7[%dma_start3A_19, %dma_start3A_21] : memref<4x768xf32, #tpu.memory_space<vmem>> -> memref<1x768xf32, #tpu.memory_space<vmem>>
    %dma_start3A_23 = tpu.memref_squeeze %dma_start3A_22 : memref<1x768xf32, #tpu.memory_space<vmem>> -> memref<768xf32, #tpu.memory_space<vmem>>
    %dma_start3A_24 = arith.constant 0 : i32
    %dma_start3A_25 = tpu.memref_slice %arg4[%div3A_18, %dma_start3A_24] : memref<77x768xf32, #tpu.memory_space<hbm>> -> memref<1x768xf32, #tpu.memory_space<hbm>>
    %dma_start3A_26 = tpu.memref_squeeze %dma_start3A_25 : memref<1x768xf32, #tpu.memory_space<hbm>> -> memref<768xf32, #tpu.memory_space<hbm>>
    %dma_start3A_27 = tpu.memref_slice %arg10[%dma_start3A_20] : memref<4x!tpu.dma_semaphore, #tpu.memory_space<semaphore_mem>> -> memref<1x!tpu.dma_semaphore, #tpu.memory_space<semaphore_mem>>
    %dma_start3A_28 = tpu.memref_squeeze %dma_start3A_27 : memref<1x!tpu.dma_semaphore, #tpu.memory_space<semaphore_mem>> -> memref<!tpu.dma_semaphore, #tpu.memory_space<semaphore_mem>>
    %dma_start3A_29 = arith.constant 0 : i32
    %dma_start3A_30 = tpu.memref_slice %arg7[%dma_start3A_19, %dma_start3A_29] : memref<4x768xf32, #tpu.memory_space<vmem>> -> memref<1x768xf32, #tpu.memory_space<vmem>>
    %dma_start3A_31 = tpu.memref_squeeze %dma_start3A_30 : memref<1x768xf32, #tpu.memory_space<vmem>> -> memref<768xf32, #tpu.memory_space<vmem>>
    %dma_start3A_32 = arith.constant 0 : i32
    %dma_start3A_33 = tpu.memref_slice %arg4[%div3A_18, %dma_start3A_32] : memref<77x768xf32, #tpu.memory_space<hbm>> -> memref<1x768xf32, #tpu.memory_space<hbm>>
    %dma_start3A_34 = tpu.memref_squeeze %dma_start3A_33 : memref<1x768xf32, #tpu.memory_space<hbm>> -> memref<768xf32, #tpu.memory_space<hbm>>
    tpu.enqueue_dma source(%dma_start3A_34 : memref<768xf32, #tpu.memory_space<hbm>>) target(%dma_start3A_31 : memref<768xf32, #tpu.memory_space<vmem>>) target_semaphore(%dma_start3A_28 : memref<!tpu.dma_semaphore, #tpu.memory_space<semaphore_mem>>)
    %dma_start3A_35 = arith.constant 1 : i32
    %dma_start3A_36 = arith.constant 1 : i32
    %dma_start3A_37 = arith.constant 0 : i32
    %dma_start3A_38 = arith.constant 0 : i32
    %dma_start3A_39 = tpu.memref_slice %arg8[%dma_start3A_35, %dma_start3A_37, %dma_start3A_38] : memref<4x32x768xf32, #tpu.memory_space<vmem>> -> memref<1x32x768xf32, #tpu.memory_space<vmem>>
    %dma_start3A_40 = tpu.memref_squeeze %dma_start3A_39 : memref<1x32x768xf32, #tpu.memory_space<vmem>> -> memref<32x768xf32, #tpu.memory_space<vmem>>
    %dma_start3A_41 = arith.constant 32 : i32
    %dma_start3A_42 = tpu.memref_slice %arg6[%dma_start3A_41] : memref<2464xi32, #tpu.memory_space<vmem>> -> memref<32xi32, #tpu.memory_space<vmem>>
    %dma_start3A_43 = arith.constant 0 : i32
    %dma_start3A_44 = arith.constant 0 : i32
    %dma_start3A_45 = tpu.memref_slice %arg3[%dma_start3A_43, %dma_start3A_44] : memref<49408x768xf32, #tpu.memory_space<hbm>> -> memref<49408x768xf32, #tpu.memory_space<hbm>>
    %dma_start3A_46 = tpu.memref_slice %arg9[%dma_start3A_36] : memref<4x!tpu.dma_semaphore, #tpu.memory_space<semaphore_mem>> -> memref<1x!tpu.dma_semaphore, #tpu.memory_space<semaphore_mem>>
    %dma_start3A_47 = tpu.memref_squeeze %dma_start3A_46 : memref<1x!tpu.dma_semaphore, #tpu.memory_space<semaphore_mem>> -> memref<!tpu.dma_semaphore, #tpu.memory_space<semaphore_mem>>
    tpu.enqueue_indirect_dma source(%dma_start3A_45 : memref<49408x768xf32, #tpu.memory_space<hbm>>) target(%dma_start3A_40 : memref<32x768xf32, #tpu.memory_space<vmem>>) offsets(%dma_start3A_42 : memref<32xi32, #tpu.memory_space<vmem>>) semaphore(%dma_start3A_47 : memref<!tpu.dma_semaphore, #tpu.memory_space<semaphore_mem>>)
    %div3A_48 = arith.constant 1 : i32
    %div3A_49 = arith.constant 1 : i32
    %div3A_50 = arith.divsi %div3A_48, %div3A_49 : i32
    %dma_start3A_51 = arith.constant 1 : i32
    %dma_start3A_52 = arith.constant 1 : i32
    %dma_start3A_53 = arith.constant 0 : i32
    %dma_start3A_54 = tpu.memref_slice %arg7[%dma_start3A_51, %dma_start3A_53] : memref<4x768xf32, #tpu.memory_space<vmem>> -> memref<1x768xf32, #tpu.memory_space<vmem>>
    %dma_start3A_55 = tpu.memref_squeeze %dma_start3A_54 : memref<1x768xf32, #tpu.memory_space<vmem>> -> memref<768xf32, #tpu.memory_space<vmem>>
    %dma_start3A_56 = arith.constant 0 : i32
    %dma_start3A_57 = tpu.memref_slice %arg4[%div3A_50, %dma_start3A_56] : memref<77x768xf32, #tpu.memory_space<hbm>> -> memref<1x768xf32, #tpu.memory_space<hbm>>
    %dma_start3A_58 = tpu.memref_squeeze %dma_start3A_57 : memref<1x768xf32, #tpu.memory_space<hbm>> -> memref<768xf32, #tpu.memory_space<hbm>>
    %dma_start3A_59 = tpu.memref_slice %arg10[%dma_start3A_52] : memref<4x!tpu.dma_semaphore, #tpu.memory_space<semaphore_mem>> -> memref<1x!tpu.dma_semaphore, #tpu.memory_space<semaphore_mem>>
    %dma_start3A_60 = tpu.memref_squeeze %dma_start3A_59 : memref<1x!tpu.dma_semaphore, #tpu.memory_space<semaphore_mem>> -> memref<!tpu.dma_semaphore, #tpu.memory_space<semaphore_mem>>
    %dma_start3A_61 = arith.constant 0 : i32
    %dma_start3A_62 = tpu.memref_slice %arg7[%dma_start3A_51, %dma_start3A_61] : memref<4x768xf32, #tpu.memory_space<vmem>> -> memref<1x768xf32, #tpu.memory_space<vmem>>
    %dma_start3A_63 = tpu.memref_squeeze %dma_start3A_62 : memref<1x768xf32, #tpu.memory_space<vmem>> -> memref<768xf32, #tpu.memory_space<vmem>>
    %dma_start3A_64 = arith.constant 0 : i32
    %dma_start3A_65 = tpu.memref_slice %arg4[%div3A_50, %dma_start3A_64] : memref<77x768xf32, #tpu.memory_space<hbm>> -> memref<1x768xf32, #tpu.memory_space<hbm>>
    %dma_start3A_66 = tpu.memref_squeeze %dma_start3A_65 : memref<1x768xf32, #tpu.memory_space<hbm>> -> memref<768xf32, #tpu.memory_space<hbm>>
    tpu.enqueue_dma source(%dma_start3A_66 : memref<768xf32, #tpu.memory_space<hbm>>) target(%dma_start3A_63 : memref<768xf32, #tpu.memory_space<vmem>>) target_semaphore(%dma_start3A_60 : memref<!tpu.dma_semaphore, #tpu.memory_space<semaphore_mem>>)
    %scan3A = arith.constant 0 : i32
    %scan3A_67 = arith.constant 77 : i32
    %scan3A_68 = arith.addi %scan3A, %scan3A_67 : i32
    %scan3A_69 = arith.constant 1 : i32
    scf.for %scan3A_125 = %scan3A to %scan3A_68 step %scan3A_69  : i32 {
      %mul3A_126 = arith.constant 1 : i32
      %mul3A_127 = arith.muli %scan3A_125, %mul3A_126 : i32
      %add3A_128 = arith.constant 0 : i32
      %add3A_129 = arith.addi %add3A_128, %mul3A_127 : i32
      %rem3A_130 = arith.constant 4 : i32
      %rem3A_131 = arith.remsi %add3A_129, %rem3A_130 : i32
      %add3A_132 = arith.constant 2 : i32
      %add3A_133 = arith.addi %add3A_129, %add3A_132 : i32
      %rem3A_134 = arith.constant 4 : i32
      %rem3A_135 = arith.remsi %add3A_133, %rem3A_134 : i32
      %ge3A = arith.constant 2 : i32
      %ge3A_136 = arith.cmpi sge, %add3A_129, %ge3A : i32
      %convert_element_type3A = arith.extui %ge3A_136 : i1 to i32
      %cond3A = arith.constant 0 : i32
      %cond3A_137 = arith.cmpi ne, %convert_element_type3A, %cond3A : i32
      scf.if %cond3A_137 {
        %sub3A = arith.constant 2 : i32
        %sub3A_403 = arith.subi %add3A_129, %sub3A : i32
        %div3A_404 = arith.constant 1 : i32
        %div3A_405 = arith.divsi %sub3A_403, %div3A_404 : i32
        %rem3A_406 = arith.constant 1 : i32
        %rem3A_407 = arith.remsi %sub3A_403, %rem3A_406 : i32
        %mul3A_408 = arith.constant 32 : i32
        %mul3A_409 = arith.muli %rem3A_407, %mul3A_408 : i32
        %add3A_410 = arith.addi %mul3A_2, %mul3A_409 : i32
        %dma_wait3A_411 = arith.constant 0 : i32
        %dma_wait3A_412 = arith.constant 0 : i32
        %dma_wait3A_413 = tpu.memref_slice %arg8[%rem3A_135, %dma_wait3A_411, %dma_wait3A_412] : memref<4x32x768xf32, #tpu.memory_space<vmem>> -> memref<1x32x768xf32, #tpu.memory_space<vmem>>
        %dma_wait3A_414 = tpu.memref_squeeze %dma_wait3A_413 : memref<1x32x768xf32, #tpu.memory_space<vmem>> -> memref<32x768xf32, #tpu.memory_space<vmem>>
        %dma_wait3A_415 = arith.constant 0 : i32
        %dma_wait3A_416 = tpu.memref_slice %arg5[%div3A_405, %add3A_410, %dma_wait3A_415] : memref<77x1024x768xf32, #tpu.memory_space<hbm>> -> memref<1x32x768xf32, #tpu.memory_space<hbm>>
        %dma_wait3A_417 = tpu.memref_squeeze %dma_wait3A_416 : memref<1x32x768xf32, #tpu.memory_space<hbm>> -> memref<32x768xf32, #tpu.memory_space<hbm>>
        %dma_wait3A_418 = tpu.memref_slice %arg11[%rem3A_135] : memref<4x!tpu.dma_semaphore, #tpu.memory_space<semaphore_mem>> -> memref<1x!tpu.dma_semaphore, #tpu.memory_space<semaphore_mem>>
        %dma_wait3A_419 = tpu.memref_squeeze %dma_wait3A_418 : memref<1x!tpu.dma_semaphore, #tpu.memory_space<semaphore_mem>> -> memref<!tpu.dma_semaphore, #tpu.memory_space<semaphore_mem>>
        %dma_wait3A_420 = arith.constant 0 : i32
        %dma_wait3A_421 = tpu.memref_slice %arg5[%div3A_405, %add3A_410, %dma_wait3A_420] : memref<77x1024x768xf32, #tpu.memory_space<hbm>> -> memref<1x32x768xf32, #tpu.memory_space<hbm>>
        %dma_wait3A_422 = tpu.memref_squeeze %dma_wait3A_421 : memref<1x32x768xf32, #tpu.memory_space<hbm>> -> memref<32x768xf32, #tpu.memory_space<hbm>>
        %dma_wait3A_423 = arith.constant 0 : i32
        %dma_wait3A_424 = arith.constant 0 : i32
        %dma_wait3A_425 = tpu.memref_slice %arg8[%rem3A_135, %dma_wait3A_423, %dma_wait3A_424] : memref<4x32x768xf32, #tpu.memory_space<vmem>> -> memref<1x32x768xf32, #tpu.memory_space<vmem>>
        %dma_wait3A_426 = tpu.memref_squeeze %dma_wait3A_425 : memref<1x32x768xf32, #tpu.memory_space<vmem>> -> memref<32x768xf32, #tpu.memory_space<vmem>>
        tpu.wait_dma2 semaphore(%dma_wait3A_419 : memref<!tpu.dma_semaphore, #tpu.memory_space<semaphore_mem>>) src(%dma_wait3A_426 : memref<32x768xf32, #tpu.memory_space<vmem>>) dst(%dma_wait3A_422 : memref<32x768xf32, #tpu.memory_space<hbm>>)
      } else {
      }
      %add3A_138 = arith.constant 2 : i32
      %add3A_139 = arith.addi %add3A_129, %add3A_138 : i32
      %lt3A = arith.constant 77 : i32
      %lt3A_140 = arith.cmpi slt, %add3A_139, %lt3A : i32
      %convert_element_type3A_141 = arith.extui %lt3A_140 : i1 to i32
      %cond3A_142 = arith.constant 0 : i32
      %cond3A_143 = arith.cmpi ne, %convert_element_type3A_141, %cond3A_142 : i32
      scf.if %cond3A_143 {
        %add3A_403 = arith.constant 2 : i32
        %add3A_404 = arith.addi %add3A_129, %add3A_403 : i32
        %mul3A_405 = arith.constant 32 : i32
        %mul3A_406 = arith.muli %add3A_404, %mul3A_405 : i32
        %dma_start3A_407 = arith.constant 0 : i32
        %dma_start3A_408 = arith.constant 0 : i32
        %dma_start3A_409 = tpu.memref_slice %arg8[%rem3A_135, %dma_start3A_407, %dma_start3A_408] : memref<4x32x768xf32, #tpu.memory_space<vmem>> -> memref<1x32x768xf32, #tpu.memory_space<vmem>>
        %dma_start3A_410 = tpu.memref_squeeze %dma_start3A_409 : memref<1x32x768xf32, #tpu.memory_space<vmem>> -> memref<32x768xf32, #tpu.memory_space<vmem>>
        %dma_start3A_411 = tpu.memref_slice %arg6[%mul3A_406] : memref<2464xi32, #tpu.memory_space<vmem>> -> memref<32xi32, #tpu.memory_space<vmem>>
        %dma_start3A_412 = arith.constant 0 : i32
        %dma_start3A_413 = arith.constant 0 : i32
        %dma_start3A_414 = tpu.memref_slice %arg3[%dma_start3A_412, %dma_start3A_413] : memref<49408x768xf32, #tpu.memory_space<hbm>> -> memref<49408x768xf32, #tpu.memory_space<hbm>>
        %dma_start3A_415 = tpu.memref_slice %arg9[%rem3A_135] : memref<4x!tpu.dma_semaphore, #tpu.memory_space<semaphore_mem>> -> memref<1x!tpu.dma_semaphore, #tpu.memory_space<semaphore_mem>>
        %dma_start3A_416 = tpu.memref_squeeze %dma_start3A_415 : memref<1x!tpu.dma_semaphore, #tpu.memory_space<semaphore_mem>> -> memref<!tpu.dma_semaphore, #tpu.memory_space<semaphore_mem>>
        tpu.enqueue_indirect_dma source(%dma_start3A_414 : memref<49408x768xf32, #tpu.memory_space<hbm>>) target(%dma_start3A_410 : memref<32x768xf32, #tpu.memory_space<vmem>>) offsets(%dma_start3A_411 : memref<32xi32, #tpu.memory_space<vmem>>) semaphore(%dma_start3A_416 : memref<!tpu.dma_semaphore, #tpu.memory_space<semaphore_mem>>)
        %add3A_417 = arith.constant 2 : i32
        %add3A_418 = arith.addi %add3A_129, %add3A_417 : i32
        %div3A_419 = arith.constant 1 : i32
        %div3A_420 = arith.divsi %add3A_418, %div3A_419 : i32
        %dma_start3A_421 = arith.constant 0 : i32
        %dma_start3A_422 = tpu.memref_slice %arg7[%rem3A_135, %dma_start3A_421] : memref<4x768xf32, #tpu.memory_space<vmem>> -> memref<1x768xf32, #tpu.memory_space<vmem>>
        %dma_start3A_423 = tpu.memref_squeeze %dma_start3A_422 : memref<1x768xf32, #tpu.memory_space<vmem>> -> memref<768xf32, #tpu.memory_space<vmem>>
        %dma_start3A_424 = arith.constant 0 : i32
        %dma_start3A_425 = tpu.memref_slice %arg4[%div3A_420, %dma_start3A_424] : memref<77x768xf32, #tpu.memory_space<hbm>> -> memref<1x768xf32, #tpu.memory_space<hbm>>
        %dma_start3A_426 = tpu.memref_squeeze %dma_start3A_425 : memref<1x768xf32, #tpu.memory_space<hbm>> -> memref<768xf32, #tpu.memory_space<hbm>>
        %dma_start3A_427 = tpu.memref_slice %arg10[%rem3A_135] : memref<4x!tpu.dma_semaphore, #tpu.memory_space<semaphore_mem>> -> memref<1x!tpu.dma_semaphore, #tpu.memory_space<semaphore_mem>>
        %dma_start3A_428 = tpu.memref_squeeze %dma_start3A_427 : memref<1x!tpu.dma_semaphore, #tpu.memory_space<semaphore_mem>> -> memref<!tpu.dma_semaphore, #tpu.memory_space<semaphore_mem>>
        %dma_start3A_429 = arith.constant 0 : i32
        %dma_start3A_430 = tpu.memref_slice %arg7[%rem3A_135, %dma_start3A_429] : memref<4x768xf32, #tpu.memory_space<vmem>> -> memref<1x768xf32, #tpu.memory_space<vmem>>
        %dma_start3A_431 = tpu.memref_squeeze %dma_start3A_430 : memref<1x768xf32, #tpu.memory_space<vmem>> -> memref<768xf32, #tpu.memory_space<vmem>>
        %dma_start3A_432 = arith.constant 0 : i32
        %dma_start3A_433 = tpu.memref_slice %arg4[%div3A_420, %dma_start3A_432] : memref<77x768xf32, #tpu.memory_space<hbm>> -> memref<1x768xf32, #tpu.memory_space<hbm>>
        %dma_start3A_434 = tpu.memref_squeeze %dma_start3A_433 : memref<1x768xf32, #tpu.memory_space<hbm>> -> memref<768xf32, #tpu.memory_space<hbm>>
        tpu.enqueue_dma source(%dma_start3A_434 : memref<768xf32, #tpu.memory_space<hbm>>) target(%dma_start3A_431 : memref<768xf32, #tpu.memory_space<vmem>>) target_semaphore(%dma_start3A_428 : memref<!tpu.dma_semaphore, #tpu.memory_space<semaphore_mem>>)
      } else {
      }
      %mul3A_144 = arith.constant 32 : i32
      %mul3A_145 = arith.muli %add3A_129, %mul3A_144 : i32
      %dma_wait3A_146 = arith.constant 0 : i32
      %dma_wait3A_147 = arith.constant 0 : i32
      %dma_wait3A_148 = tpu.memref_slice %arg8[%rem3A_131, %dma_wait3A_146, %dma_wait3A_147] : memref<4x32x768xf32, #tpu.memory_space<vmem>> -> memref<1x32x768xf32, #tpu.memory_space<vmem>>
      %dma_wait3A_149 = tpu.memref_squeeze %dma_wait3A_148 : memref<1x32x768xf32, #tpu.memory_space<vmem>> -> memref<32x768xf32, #tpu.memory_space<vmem>>
      %dma_wait3A_150 = tpu.memref_slice %arg6[%mul3A_145] : memref<2464xi32, #tpu.memory_space<vmem>> -> memref<32xi32, #tpu.memory_space<vmem>>
      %dma_wait3A_151 = arith.constant 0 : i32
      %dma_wait3A_152 = arith.constant 0 : i32
      %dma_wait3A_153 = tpu.memref_slice %arg3[%dma_wait3A_151, %dma_wait3A_152] : memref<49408x768xf32, #tpu.memory_space<hbm>> -> memref<49408x768xf32, #tpu.memory_space<hbm>>
      %dma_wait3A_154 = tpu.memref_slice %arg9[%rem3A_131] : memref<4x!tpu.dma_semaphore, #tpu.memory_space<semaphore_mem>> -> memref<1x!tpu.dma_semaphore, #tpu.memory_space<semaphore_mem>>
      %dma_wait3A_155 = tpu.memref_squeeze %dma_wait3A_154 : memref<1x!tpu.dma_semaphore, #tpu.memory_space<semaphore_mem>> -> memref<!tpu.dma_semaphore, #tpu.memory_space<semaphore_mem>>
      tpu.wait_indirect_dma semaphore(%dma_wait3A_155 : memref<!tpu.dma_semaphore, #tpu.memory_space<semaphore_mem>>) src(%dma_wait3A_153 : memref<49408x768xf32, #tpu.memory_space<hbm>>) dst(%dma_wait3A_149 : memref<32x768xf32, #tpu.memory_space<vmem>>)
      %div3A_156 = arith.constant 1 : i32
      %div3A_157 = arith.divsi %add3A_129, %div3A_156 : i32
      %dma_wait3A_158 = arith.constant 0 : i32
      %dma_wait3A_159 = tpu.memref_slice %arg7[%rem3A_131, %dma_wait3A_158] : memref<4x768xf32, #tpu.memory_space<vmem>> -> memref<1x768xf32, #tpu.memory_space<vmem>>
      %dma_wait3A_160 = tpu.memref_squeeze %dma_wait3A_159 : memref<1x768xf32, #tpu.memory_space<vmem>> -> memref<768xf32, #tpu.memory_space<vmem>>
      %dma_wait3A_161 = arith.constant 0 : i32
      %dma_wait3A_162 = tpu.memref_slice %arg4[%div3A_157, %dma_wait3A_161] : memref<77x768xf32, #tpu.memory_space<hbm>> -> memref<1x768xf32, #tpu.memory_space<hbm>>
      %dma_wait3A_163 = tpu.memref_squeeze %dma_wait3A_162 : memref<1x768xf32, #tpu.memory_space<hbm>> -> memref<768xf32, #tpu.memory_space<hbm>>
      %dma_wait3A_164 = tpu.memref_slice %arg10[%rem3A_131] : memref<4x!tpu.dma_semaphore, #tpu.memory_space<semaphore_mem>> -> memref<1x!tpu.dma_semaphore, #tpu.memory_space<semaphore_mem>>
      %dma_wait3A_165 = tpu.memref_squeeze %dma_wait3A_164 : memref<1x!tpu.dma_semaphore, #tpu.memory_space<semaphore_mem>> -> memref<!tpu.dma_semaphore, #tpu.memory_space<semaphore_mem>>
      %dma_wait3A_166 = arith.constant 0 : i32
      %dma_wait3A_167 = tpu.memref_slice %arg7[%rem3A_131, %dma_wait3A_166] : memref<4x768xf32, #tpu.memory_space<vmem>> -> memref<1x768xf32, #tpu.memory_space<vmem>>
      %dma_wait3A_168 = tpu.memref_squeeze %dma_wait3A_167 : memref<1x768xf32, #tpu.memory_space<vmem>> -> memref<768xf32, #tpu.memory_space<vmem>>
      %dma_wait3A_169 = arith.constant 0 : i32
      %dma_wait3A_170 = tpu.memref_slice %arg4[%div3A_157, %dma_wait3A_169] : memref<77x768xf32, #tpu.memory_space<hbm>> -> memref<1x768xf32, #tpu.memory_space<hbm>>
      %dma_wait3A_171 = tpu.memref_squeeze %dma_wait3A_170 : memref<1x768xf32, #tpu.memory_space<hbm>> -> memref<768xf32, #tpu.memory_space<hbm>>
      tpu.wait_dma2 semaphore(%dma_wait3A_165 : memref<!tpu.dma_semaphore, #tpu.memory_space<semaphore_mem>>) src(%dma_wait3A_171 : memref<768xf32, #tpu.memory_space<hbm>>) dst(%dma_wait3A_168 : memref<768xf32, #tpu.memory_space<vmem>>)
      %get3A = arith.index_cast %rem3A_131 : i32 to index
      %get3A_172 = arith.constant 0 : index
      %get3A_173 = tpu.vector_load %arg7[%get3A, %get3A_172] {strides = array<i32>} : memref<4x768xf32, #tpu.memory_space<vmem>>, vector<1x16xf32>,
      %get3A_174 = vector.shape_cast %get3A_173 : vector<1x16xf32> to vector<16xf32>
      %get3A_175 = arith.index_cast %rem3A_131 : i32 to index
      %get3A_176 = arith.constant 16 : index
      %get3A_177 = tpu.vector_load %arg7[%get3A_175, %get3A_176] {strides = array<i32>} : memref<4x768xf32, #tpu.memory_space<vmem>>, vector<1x16xf32>,
      %get3A_178 = vector.shape_cast %get3A_177 : vector<1x16xf32> to vector<16xf32>
      %get3A_179 = arith.index_cast %rem3A_131 : i32 to index
      %get3A_180 = arith.constant 32 : index
      %get3A_181 = tpu.vector_load %arg7[%get3A_179, %get3A_180] {strides = array<i32>} : memref<4x768xf32, #tpu.memory_space<vmem>>, vector<1x16xf32>,
      %get3A_182 = vector.shape_cast %get3A_181 : vector<1x16xf32> to vector<16xf32>
      %get3A_183 = arith.index_cast %rem3A_131 : i32 to index
      %get3A_184 = arith.constant 48 : index
      %get3A_185 = tpu.vector_load %arg7[%get3A_183, %get3A_184] {strides = array<i32>} : memref<4x768xf32, #tpu.memory_space<vmem>>, vector<1x16xf32>,
      %get3A_186 = vector.shape_cast %get3A_185 : vector<1x16xf32> to vector<16xf32>
      %get3A_187 = arith.index_cast %rem3A_131 : i32 to index
      %get3A_188 = arith.constant 64 : index
      %get3A_189 = tpu.vector_load %arg7[%get3A_187, %get3A_188] {strides = array<i32>} : memref<4x768xf32, #tpu.memory_space<vmem>>, vector<1x16xf32>,
      %get3A_190 = vector.shape_cast %get3A_189 : vector<1x16xf32> to vector<16xf32>
      %get3A_191 = arith.index_cast %rem3A_131 : i32 to index
      %get3A_192 = arith.constant 80 : index
      %get3A_193 = tpu.vector_load %arg7[%get3A_191, %get3A_192] {strides = array<i32>} : memref<4x768xf32, #tpu.memory_space<vmem>>, vector<1x16xf32>,
      %get3A_194 = vector.shape_cast %get3A_193 : vector<1x16xf32> to vector<16xf32>
      %get3A_195 = arith.index_cast %rem3A_131 : i32 to index
      %get3A_196 = arith.constant 96 : index
      %get3A_197 = tpu.vector_load %arg7[%get3A_195, %get3A_196] {strides = array<i32>} : memref<4x768xf32, #tpu.memory_space<vmem>>, vector<1x16xf32>,
      %get3A_198 = vector.shape_cast %get3A_197 : vector<1x16xf32> to vector<16xf32>
      %get3A_199 = arith.index_cast %rem3A_131 : i32 to index
      %get3A_200 = arith.constant 112 : index
      %get3A_201 = tpu.vector_load %arg7[%get3A_199, %get3A_200] {strides = array<i32>} : memref<4x768xf32, #tpu.memory_space<vmem>>, vector<1x16xf32>,
      %get3A_202 = vector.shape_cast %get3A_201 : vector<1x16xf32> to vector<16xf32>
      %parallel_loop3A = arith.constant 0 : i32
      %parallel_loop3A_203 = arith.constant 32 : i32
      %parallel_loop3A_204 = arith.constant 1 : i32
      scf.for %parallel_loop3A_403 = %parallel_loop3A to %parallel_loop3A_203 step %parallel_loop3A_204  : i32 {
        %parallel_loop3A_404 = arith.index_cast %rem3A_131 : i32 to index
        %parallel_loop3A_405 = arith.index_cast %parallel_loop3A_403 : i32 to index
        %parallel_loop3A_406 = arith.constant 0 : index
        %parallel_loop3A_407 = tpu.vector_load %arg8[%parallel_loop3A_404, %parallel_loop3A_405, %parallel_loop3A_406] {strides = array<i32>} : memref<4x32x768xf32, #tpu.memory_space<vmem>>, vector<1x1x16xf32>,
        %parallel_loop3A_408 = vector.shape_cast %parallel_loop3A_407 : vector<1x1x16xf32> to vector<16xf32>
        %parallel_loop3A_409 = vector.shape_cast %get3A_174 : vector<16xf32> to vector<1x1x16xf32>
        tpu.vector_store %arg8[%parallel_loop3A_404, %parallel_loop3A_405, %parallel_loop3A_406], %parallel_loop3A_409 {add = true, strides = array<i32>} : memref<4x32x768xf32, #tpu.memory_space<vmem>>, vector<1x1x16xf32>,
        %parallel_loop3A_410 = arith.index_cast %rem3A_131 : i32 to index
        %parallel_loop3A_411 = arith.index_cast %parallel_loop3A_403 : i32 to index
        %parallel_loop3A_412 = arith.constant 16 : index
        %parallel_loop3A_413 = tpu.vector_load %arg8[%parallel_loop3A_410, %parallel_loop3A_411, %parallel_loop3A_412] {strides = array<i32>} : memref<4x32x768xf32, #tpu.memory_space<vmem>>, vector<1x1x16xf32>,
        %parallel_loop3A_414 = vector.shape_cast %parallel_loop3A_413 : vector<1x1x16xf32> to vector<16xf32>
        %parallel_loop3A_415 = vector.shape_cast %get3A_178 : vector<16xf32> to vector<1x1x16xf32>
        tpu.vector_store %arg8[%parallel_loop3A_410, %parallel_loop3A_411, %parallel_loop3A_412], %parallel_loop3A_415 {add = true, strides = array<i32>} : memref<4x32x768xf32, #tpu.memory_space<vmem>>, vector<1x1x16xf32>,
        %parallel_loop3A_416 = arith.index_cast %rem3A_131 : i32 to index
        %parallel_loop3A_417 = arith.index_cast %parallel_loop3A_403 : i32 to index
        %parallel_loop3A_418 = arith.constant 32 : index
        %parallel_loop3A_419 = tpu.vector_load %arg8[%parallel_loop3A_416, %parallel_loop3A_417, %parallel_loop3A_418] {strides = array<i32>} : memref<4x32x768xf32, #tpu.memory_space<vmem>>, vector<1x1x16xf32>,
        %parallel_loop3A_420 = vector.shape_cast %parallel_loop3A_419 : vector<1x1x16xf32> to vector<16xf32>
        %parallel_loop3A_421 = vector.shape_cast %get3A_182 : vector<16xf32> to vector<1x1x16xf32>
        tpu.vector_store %arg8[%parallel_loop3A_416, %parallel_loop3A_417, %parallel_loop3A_418], %parallel_loop3A_421 {add = true, strides = array<i32>} : memref<4x32x768xf32, #tpu.memory_space<vmem>>, vector<1x1x16xf32>,
        %parallel_loop3A_422 = arith.index_cast %rem3A_131 : i32 to index
        %parallel_loop3A_423 = arith.index_cast %parallel_loop3A_403 : i32 to index
        %parallel_loop3A_424 = arith.constant 48 : index
        %parallel_loop3A_425 = tpu.vector_load %arg8[%parallel_loop3A_422, %parallel_loop3A_423, %parallel_loop3A_424] {strides = array<i32>} : memref<4x32x768xf32, #tpu.memory_space<vmem>>, vector<1x1x16xf32>,
        %parallel_loop3A_426 = vector.shape_cast %parallel_loop3A_425 : vector<1x1x16xf32> to vector<16xf32>
        %parallel_loop3A_427 = vector.shape_cast %get3A_186 : vector<16xf32> to vector<1x1x16xf32>
        tpu.vector_store %arg8[%parallel_loop3A_422, %parallel_loop3A_423, %parallel_loop3A_424], %parallel_loop3A_427 {add = true, strides = array<i32>} : memref<4x32x768xf32, #tpu.memory_space<vmem>>, vector<1x1x16xf32>,
        %parallel_loop3A_428 = arith.index_cast %rem3A_131 : i32 to index
        %parallel_loop3A_429 = arith.index_cast %parallel_loop3A_403 : i32 to index
        %parallel_loop3A_430 = arith.constant 64 : index
        %parallel_loop3A_431 = tpu.vector_load %arg8[%parallel_loop3A_428, %parallel_loop3A_429, %parallel_loop3A_430] {strides = array<i32>} : memref<4x32x768xf32, #tpu.memory_space<vmem>>, vector<1x1x16xf32>,
        %parallel_loop3A_432 = vector.shape_cast %parallel_loop3A_431 : vector<1x1x16xf32> to vector<16xf32>
        %parallel_loop3A_433 = vector.shape_cast %get3A_190 : vector<16xf32> to vector<1x1x16xf32>
        tpu.vector_store %arg8[%parallel_loop3A_428, %parallel_loop3A_429, %parallel_loop3A_430], %parallel_loop3A_433 {add = true, strides = array<i32>} : memref<4x32x768xf32, #tpu.memory_space<vmem>>, vector<1x1x16xf32>,
        %parallel_loop3A_434 = arith.index_cast %rem3A_131 : i32 to index
        %parallel_loop3A_435 = arith.index_cast %parallel_loop3A_403 : i32 to index
        %parallel_loop3A_436 = arith.constant 80 : index
        %parallel_loop3A_437 = tpu.vector_load %arg8[%parallel_loop3A_434, %parallel_loop3A_435, %parallel_loop3A_436] {strides = array<i32>} : memref<4x32x768xf32, #tpu.memory_space<vmem>>, vector<1x1x16xf32>,
        %parallel_loop3A_438 = vector.shape_cast %parallel_loop3A_437 : vector<1x1x16xf32> to vector<16xf32>
        %parallel_loop3A_439 = vector.shape_cast %get3A_194 : vector<16xf32> to vector<1x1x16xf32>
        tpu.vector_store %arg8[%parallel_loop3A_434, %parallel_loop3A_435, %parallel_loop3A_436], %parallel_loop3A_439 {add = true, strides = array<i32>} : memref<4x32x768xf32, #tpu.memory_space<vmem>>, vector<1x1x16xf32>,
        %parallel_loop3A_440 = arith.index_cast %rem3A_131 : i32 to index
        %parallel_loop3A_441 = arith.index_cast %parallel_loop3A_403 : i32 to index
        %parallel_loop3A_442 = arith.constant 96 : index
        %parallel_loop3A_443 = tpu.vector_load %arg8[%parallel_loop3A_440, %parallel_loop3A_441, %parallel_loop3A_442] {strides = array<i32>} : memref<4x32x768xf32, #tpu.memory_space<vmem>>, vector<1x1x16xf32>,
        %parallel_loop3A_444 = vector.shape_cast %parallel_loop3A_443 : vector<1x1x16xf32> to vector<16xf32>
        %parallel_loop3A_445 = vector.shape_cast %get3A_198 : vector<16xf32> to vector<1x1x16xf32>
        tpu.vector_store %arg8[%parallel_loop3A_440, %parallel_loop3A_441, %parallel_loop3A_442], %parallel_loop3A_445 {add = true, strides = array<i32>} : memref<4x32x768xf32, #tpu.memory_space<vmem>>, vector<1x1x16xf32>,
        %parallel_loop3A_446 = arith.index_cast %rem3A_131 : i32 to index
        %parallel_loop3A_447 = arith.index_cast %parallel_loop3A_403 : i32 to index
        %parallel_loop3A_448 = arith.constant 112 : index
        %parallel_loop3A_449 = tpu.vector_load %arg8[%parallel_loop3A_446, %parallel_loop3A_447, %parallel_loop3A_448] {strides = array<i32>} : memref<4x32x768xf32, #tpu.memory_space<vmem>>, vector<1x1x16xf32>,
        %parallel_loop3A_450 = vector.shape_cast %parallel_loop3A_449 : vector<1x1x16xf32> to vector<16xf32>
        %parallel_loop3A_451 = vector.shape_cast %get3A_202 : vector<16xf32> to vector<1x1x16xf32>
        tpu.vector_store %arg8[%parallel_loop3A_446, %parallel_loop3A_447, %parallel_loop3A_448], %parallel_loop3A_451 {add = true, strides = array<i32>} : memref<4x32x768xf32, #tpu.memory_space<vmem>>, vector<1x1x16xf32>,
      } {sc.loop_unroll_factor = 4 : i64, sc.parallel_access}
      %get3A_205 = arith.index_cast %rem3A_131 : i32 to index
      %get3A_206 = arith.constant 128 : index
      %get3A_207 = tpu.vector_load %arg7[%get3A_205, %get3A_206] {strides = array<i32>} : memref<4x768xf32, #tpu.memory_space<vmem>>, vector<1x16xf32>,
      %get3A_208 = vector.shape_cast %get3A_207 : vector<1x16xf32> to vector<16xf32>
      %get3A_209 = arith.index_cast %rem3A_131 : i32 to index
      %get3A_210 = arith.constant 144 : index
      %get3A_211 = tpu.vector_load %arg7[%get3A_209, %get3A_210] {strides = array<i32>} : memref<4x768xf32, #tpu.memory_space<vmem>>, vector<1x16xf32>,
      %get3A_212 = vector.shape_cast %get3A_211 : vector<1x16xf32> to vector<16xf32>
      %get3A_213 = arith.index_cast %rem3A_131 : i32 to index
      %get3A_214 = arith.constant 160 : index
      %get3A_215 = tpu.vector_load %arg7[%get3A_213, %get3A_214] {strides = array<i32>} : memref<4x768xf32, #tpu.memory_space<vmem>>, vector<1x16xf32>,
      %get3A_216 = vector.shape_cast %get3A_215 : vector<1x16xf32> to vector<16xf32>
      %get3A_217 = arith.index_cast %rem3A_131 : i32 to index
      %get3A_218 = arith.constant 176 : index
      %get3A_219 = tpu.vector_load %arg7[%get3A_217, %get3A_218] {strides = array<i32>} : memref<4x768xf32, #tpu.memory_space<vmem>>, vector<1x16xf32>,
      %get3A_220 = vector.shape_cast %get3A_219 : vector<1x16xf32> to vector<16xf32>
      %get3A_221 = arith.index_cast %rem3A_131 : i32 to index
      %get3A_222 = arith.constant 192 : index
      %get3A_223 = tpu.vector_load %arg7[%get3A_221, %get3A_222] {strides = array<i32>} : memref<4x768xf32, #tpu.memory_space<vmem>>, vector<1x16xf32>,
      %get3A_224 = vector.shape_cast %get3A_223 : vector<1x16xf32> to vector<16xf32>
      %get3A_225 = arith.index_cast %rem3A_131 : i32 to index
      %get3A_226 = arith.constant 208 : index
      %get3A_227 = tpu.vector_load %arg7[%get3A_225, %get3A_226] {strides = array<i32>} : memref<4x768xf32, #tpu.memory_space<vmem>>, vector<1x16xf32>,
      %get3A_228 = vector.shape_cast %get3A_227 : vector<1x16xf32> to vector<16xf32>
      %get3A_229 = arith.index_cast %rem3A_131 : i32 to index
      %get3A_230 = arith.constant 224 : index
      %get3A_231 = tpu.vector_load %arg7[%get3A_229, %get3A_230] {strides = array<i32>} : memref<4x768xf32, #tpu.memory_space<vmem>>, vector<1x16xf32>,
      %get3A_232 = vector.shape_cast %get3A_231 : vector<1x16xf32> to vector<16xf32>
      %get3A_233 = arith.index_cast %rem3A_131 : i32 to index
      %get3A_234 = arith.constant 240 : index
      %get3A_235 = tpu.vector_load %arg7[%get3A_233, %get3A_234] {strides = array<i32>} : memref<4x768xf32, #tpu.memory_space<vmem>>, vector<1x16xf32>,
      %get3A_236 = vector.shape_cast %get3A_235 : vector<1x16xf32> to vector<16xf32>
      %parallel_loop3A_237 = arith.constant 0 : i32
      %parallel_loop3A_238 = arith.constant 32 : i32
      %parallel_loop3A_239 = arith.constant 1 : i32
      scf.for %parallel_loop3A_403 = %parallel_loop3A_237 to %parallel_loop3A_238 step %parallel_loop3A_239  : i32 {
        %parallel_loop3A_404 = arith.index_cast %rem3A_131 : i32 to index
        %parallel_loop3A_405 = arith.index_cast %parallel_loop3A_403 : i32 to index
        %parallel_loop3A_406 = arith.constant 128 : index
        %parallel_loop3A_407 = tpu.vector_load %arg8[%parallel_loop3A_404, %parallel_loop3A_405, %parallel_loop3A_406] {strides = array<i32>} : memref<4x32x768xf32, #tpu.memory_space<vmem>>, vector<1x1x16xf32>,
        %parallel_loop3A_408 = vector.shape_cast %parallel_loop3A_407 : vector<1x1x16xf32> to vector<16xf32>
        %parallel_loop3A_409 = vector.shape_cast %get3A_208 : vector<16xf32> to vector<1x1x16xf32>
        tpu.vector_store %arg8[%parallel_loop3A_404, %parallel_loop3A_405, %parallel_loop3A_406], %parallel_loop3A_409 {add = true, strides = array<i32>} : memref<4x32x768xf32, #tpu.memory_space<vmem>>, vector<1x1x16xf32>,
        %parallel_loop3A_410 = arith.index_cast %rem3A_131 : i32 to index
        %parallel_loop3A_411 = arith.index_cast %parallel_loop3A_403 : i32 to index
        %parallel_loop3A_412 = arith.constant 144 : index
        %parallel_loop3A_413 = tpu.vector_load %arg8[%parallel_loop3A_410, %parallel_loop3A_411, %parallel_loop3A_412] {strides = array<i32>} : memref<4x32x768xf32, #tpu.memory_space<vmem>>, vector<1x1x16xf32>,
        %parallel_loop3A_414 = vector.shape_cast %parallel_loop3A_413 : vector<1x1x16xf32> to vector<16xf32>
        %parallel_loop3A_415 = vector.shape_cast %get3A_212 : vector<16xf32> to vector<1x1x16xf32>
        tpu.vector_store %arg8[%parallel_loop3A_410, %parallel_loop3A_411, %parallel_loop3A_412], %parallel_loop3A_415 {add = true, strides = array<i32>} : memref<4x32x768xf32, #tpu.memory_space<vmem>>, vector<1x1x16xf32>,
        %parallel_loop3A_416 = arith.index_cast %rem3A_131 : i32 to index
        %parallel_loop3A_417 = arith.index_cast %parallel_loop3A_403 : i32 to index
        %parallel_loop3A_418 = arith.constant 160 : index
        %parallel_loop3A_419 = tpu.vector_load %arg8[%parallel_loop3A_416, %parallel_loop3A_417, %parallel_loop3A_418] {strides = array<i32>} : memref<4x32x768xf32, #tpu.memory_space<vmem>>, vector<1x1x16xf32>,
        %parallel_loop3A_420 = vector.shape_cast %parallel_loop3A_419 : vector<1x1x16xf32> to vector<16xf32>
        %parallel_loop3A_421 = vector.shape_cast %get3A_216 : vector<16xf32> to vector<1x1x16xf32>
        tpu.vector_store %arg8[%parallel_loop3A_416, %parallel_loop3A_417, %parallel_loop3A_418], %parallel_loop3A_421 {add = true, strides = array<i32>} : memref<4x32x768xf32, #tpu.memory_space<vmem>>, vector<1x1x16xf32>,
        %parallel_loop3A_422 = arith.index_cast %rem3A_131 : i32 to index
        %parallel_loop3A_423 = arith.index_cast %parallel_loop3A_403 : i32 to index
        %parallel_loop3A_424 = arith.constant 176 : index
        %parallel_loop3A_425 = tpu.vector_load %arg8[%parallel_loop3A_422, %parallel_loop3A_423, %parallel_loop3A_424] {strides = array<i32>} : memref<4x32x768xf32, #tpu.memory_space<vmem>>, vector<1x1x16xf32>,
        %parallel_loop3A_426 = vector.shape_cast %parallel_loop3A_425 : vector<1x1x16xf32> to vector<16xf32>
        %parallel_loop3A_427 = vector.shape_cast %get3A_220 : vector<16xf32> to vector<1x1x16xf32>
        tpu.vector_store %arg8[%parallel_loop3A_422, %parallel_loop3A_423, %parallel_loop3A_424], %parallel_loop3A_427 {add = true, strides = array<i32>} : memref<4x32x768xf32, #tpu.memory_space<vmem>>, vector<1x1x16xf32>,
        %parallel_loop3A_428 = arith.index_cast %rem3A_131 : i32 to index
        %parallel_loop3A_429 = arith.index_cast %parallel_loop3A_403 : i32 to index
        %parallel_loop3A_430 = arith.constant 192 : index
        %parallel_loop3A_431 = tpu.vector_load %arg8[%parallel_loop3A_428, %parallel_loop3A_429, %parallel_loop3A_430] {strides = array<i32>} : memref<4x32x768xf32, #tpu.memory_space<vmem>>, vector<1x1x16xf32>,
        %parallel_loop3A_432 = vector.shape_cast %parallel_loop3A_431 : vector<1x1x16xf32> to vector<16xf32>
        %parallel_loop3A_433 = vector.shape_cast %get3A_224 : vector<16xf32> to vector<1x1x16xf32>
        tpu.vector_store %arg8[%parallel_loop3A_428, %parallel_loop3A_429, %parallel_loop3A_430], %parallel_loop3A_433 {add = true, strides = array<i32>} : memref<4x32x768xf32, #tpu.memory_space<vmem>>, vector<1x1x16xf32>,
        %parallel_loop3A_434 = arith.index_cast %rem3A_131 : i32 to index
        %parallel_loop3A_435 = arith.index_cast %parallel_loop3A_403 : i32 to index
        %parallel_loop3A_436 = arith.constant 208 : index
        %parallel_loop3A_437 = tpu.vector_load %arg8[%parallel_loop3A_434, %parallel_loop3A_435, %parallel_loop3A_436] {strides = array<i32>} : memref<4x32x768xf32, #tpu.memory_space<vmem>>, vector<1x1x16xf32>,
        %parallel_loop3A_438 = vector.shape_cast %parallel_loop3A_437 : vector<1x1x16xf32> to vector<16xf32>
        %parallel_loop3A_439 = vector.shape_cast %get3A_228 : vector<16xf32> to vector<1x1x16xf32>
        tpu.vector_store %arg8[%parallel_loop3A_434, %parallel_loop3A_435, %parallel_loop3A_436], %parallel_loop3A_439 {add = true, strides = array<i32>} : memref<4x32x768xf32, #tpu.memory_space<vmem>>, vector<1x1x16xf32>,
        %parallel_loop3A_440 = arith.index_cast %rem3A_131 : i32 to index
        %parallel_loop3A_441 = arith.index_cast %parallel_loop3A_403 : i32 to index
        %parallel_loop3A_442 = arith.constant 224 : index
        %parallel_loop3A_443 = tpu.vector_load %arg8[%parallel_loop3A_440, %parallel_loop3A_441, %parallel_loop3A_442] {strides = array<i32>} : memref<4x32x768xf32, #tpu.memory_space<vmem>>, vector<1x1x16xf32>,
        %parallel_loop3A_444 = vector.shape_cast %parallel_loop3A_443 : vector<1x1x16xf32> to vector<16xf32>
        %parallel_loop3A_445 = vector.shape_cast %get3A_232 : vector<16xf32> to vector<1x1x16xf32>
        tpu.vector_store %arg8[%parallel_loop3A_440, %parallel_loop3A_441, %parallel_loop3A_442], %parallel_loop3A_445 {add = true, strides = array<i32>} : memref<4x32x768xf32, #tpu.memory_space<vmem>>, vector<1x1x16xf32>,
        %parallel_loop3A_446 = arith.index_cast %rem3A_131 : i32 to index
        %parallel_loop3A_447 = arith.index_cast %parallel_loop3A_403 : i32 to index
        %parallel_loop3A_448 = arith.constant 240 : index
        %parallel_loop3A_449 = tpu.vector_load %arg8[%parallel_loop3A_446, %parallel_loop3A_447, %parallel_loop3A_448] {strides = array<i32>} : memref<4x32x768xf32, #tpu.memory_space<vmem>>, vector<1x1x16xf32>,
        %parallel_loop3A_450 = vector.shape_cast %parallel_loop3A_449 : vector<1x1x16xf32> to vector<16xf32>
        %parallel_loop3A_451 = vector.shape_cast %get3A_236 : vector<16xf32> to vector<1x1x16xf32>
        tpu.vector_store %arg8[%parallel_loop3A_446, %parallel_loop3A_447, %parallel_loop3A_448], %parallel_loop3A_451 {add = true, strides = array<i32>} : memref<4x32x768xf32, #tpu.memory_space<vmem>>, vector<1x1x16xf32>,
      } {sc.loop_unroll_factor = 4 : i64, sc.parallel_access}
      %get3A_240 = arith.index_cast %rem3A_131 : i32 to index
      %get3A_241 = arith.constant 256 : index
      %get3A_242 = tpu.vector_load %arg7[%get3A_240, %get3A_241] {strides = array<i32>} : memref<4x768xf32, #tpu.memory_space<vmem>>, vector<1x16xf32>,
      %get3A_243 = vector.shape_cast %get3A_242 : vector<1x16xf32> to vector<16xf32>
      %get3A_244 = arith.index_cast %rem3A_131 : i32 to index
      %get3A_245 = arith.constant 272 : index
      %get3A_246 = tpu.vector_load %arg7[%get3A_244, %get3A_245] {strides = array<i32>} : memref<4x768xf32, #tpu.memory_space<vmem>>, vector<1x16xf32>,
      %get3A_247 = vector.shape_cast %get3A_246 : vector<1x16xf32> to vector<16xf32>
      %get3A_248 = arith.index_cast %rem3A_131 : i32 to index
      %get3A_249 = arith.constant 288 : index
      %get3A_250 = tpu.vector_load %arg7[%get3A_248, %get3A_249] {strides = array<i32>} : memref<4x768xf32, #tpu.memory_space<vmem>>, vector<1x16xf32>,
      %get3A_251 = vector.shape_cast %get3A_250 : vector<1x16xf32> to vector<16xf32>
      %get3A_252 = arith.index_cast %rem3A_131 : i32 to index
      %get3A_253 = arith.constant 304 : index
      %get3A_254 = tpu.vector_load %arg7[%get3A_252, %get3A_253] {strides = array<i32>} : memref<4x768xf32, #tpu.memory_space<vmem>>, vector<1x16xf32>,
      %get3A_255 = vector.shape_cast %get3A_254 : vector<1x16xf32> to vector<16xf32>
      %get3A_256 = arith.index_cast %rem3A_131 : i32 to index
      %get3A_257 = arith.constant 320 : index
      %get3A_258 = tpu.vector_load %arg7[%get3A_256, %get3A_257] {strides = array<i32>} : memref<4x768xf32, #tpu.memory_space<vmem>>, vector<1x16xf32>,
      %get3A_259 = vector.shape_cast %get3A_258 : vector<1x16xf32> to vector<16xf32>
      %get3A_260 = arith.index_cast %rem3A_131 : i32 to index
      %get3A_261 = arith.constant 336 : index
      %get3A_262 = tpu.vector_load %arg7[%get3A_260, %get3A_261] {strides = array<i32>} : memref<4x768xf32, #tpu.memory_space<vmem>>, vector<1x16xf32>,
      %get3A_263 = vector.shape_cast %get3A_262 : vector<1x16xf32> to vector<16xf32>
      %get3A_264 = arith.index_cast %rem3A_131 : i32 to index
      %get3A_265 = arith.constant 352 : index
      %get3A_266 = tpu.vector_load %arg7[%get3A_264, %get3A_265] {strides = array<i32>} : memref<4x768xf32, #tpu.memory_space<vmem>>, vector<1x16xf32>,
      %get3A_267 = vector.shape_cast %get3A_266 : vector<1x16xf32> to vector<16xf32>
      %get3A_268 = arith.index_cast %rem3A_131 : i32 to index
      %get3A_269 = arith.constant 368 : index
      %get3A_270 = tpu.vector_load %arg7[%get3A_268, %get3A_269] {strides = array<i32>} : memref<4x768xf32, #tpu.memory_space<vmem>>, vector<1x16xf32>,
      %get3A_271 = vector.shape_cast %get3A_270 : vector<1x16xf32> to vector<16xf32>
      %parallel_loop3A_272 = arith.constant 0 : i32
      %parallel_loop3A_273 = arith.constant 32 : i32
      %parallel_loop3A_274 = arith.constant 1 : i32
      scf.for %parallel_loop3A_403 = %parallel_loop3A_272 to %parallel_loop3A_273 step %parallel_loop3A_274  : i32 {
        %parallel_loop3A_404 = arith.index_cast %rem3A_131 : i32 to index
        %parallel_loop3A_405 = arith.index_cast %parallel_loop3A_403 : i32 to index
        %parallel_loop3A_406 = arith.constant 256 : index
        %parallel_loop3A_407 = tpu.vector_load %arg8[%parallel_loop3A_404, %parallel_loop3A_405, %parallel_loop3A_406] {strides = array<i32>} : memref<4x32x768xf32, #tpu.memory_space<vmem>>, vector<1x1x16xf32>,
        %parallel_loop3A_408 = vector.shape_cast %parallel_loop3A_407 : vector<1x1x16xf32> to vector<16xf32>
        %parallel_loop3A_409 = vector.shape_cast %get3A_243 : vector<16xf32> to vector<1x1x16xf32>
        tpu.vector_store %arg8[%parallel_loop3A_404, %parallel_loop3A_405, %parallel_loop3A_406], %parallel_loop3A_409 {add = true, strides = array<i32>} : memref<4x32x768xf32, #tpu.memory_space<vmem>>, vector<1x1x16xf32>,
        %parallel_loop3A_410 = arith.index_cast %rem3A_131 : i32 to index
        %parallel_loop3A_411 = arith.index_cast %parallel_loop3A_403 : i32 to index
        %parallel_loop3A_412 = arith.constant 272 : index
        %parallel_loop3A_413 = tpu.vector_load %arg8[%parallel_loop3A_410, %parallel_loop3A_411, %parallel_loop3A_412] {strides = array<i32>} : memref<4x32x768xf32, #tpu.memory_space<vmem>>, vector<1x1x16xf32>,
        %parallel_loop3A_414 = vector.shape_cast %parallel_loop3A_413 : vector<1x1x16xf32> to vector<16xf32>
        %parallel_loop3A_415 = vector.shape_cast %get3A_247 : vector<16xf32> to vector<1x1x16xf32>
        tpu.vector_store %arg8[%parallel_loop3A_410, %parallel_loop3A_411, %parallel_loop3A_412], %parallel_loop3A_415 {add = true, strides = array<i32>} : memref<4x32x768xf32, #tpu.memory_space<vmem>>, vector<1x1x16xf32>,
        %parallel_loop3A_416 = arith.index_cast %rem3A_131 : i32 to index
        %parallel_loop3A_417 = arith.index_cast %parallel_loop3A_403 : i32 to index
        %parallel_loop3A_418 = arith.constant 288 : index
        %parallel_loop3A_419 = tpu.vector_load %arg8[%parallel_loop3A_416, %parallel_loop3A_417, %parallel_loop3A_418] {strides = array<i32>} : memref<4x32x768xf32, #tpu.memory_space<vmem>>, vector<1x1x16xf32>,
        %parallel_loop3A_420 = vector.shape_cast %parallel_loop3A_419 : vector<1x1x16xf32> to vector<16xf32>
        %parallel_loop3A_421 = vector.shape_cast %get3A_251 : vector<16xf32> to vector<1x1x16xf32>
        tpu.vector_store %arg8[%parallel_loop3A_416, %parallel_loop3A_417, %parallel_loop3A_418], %parallel_loop3A_421 {add = true, strides = array<i32>} : memref<4x32x768xf32, #tpu.memory_space<vmem>>, vector<1x1x16xf32>,
        %parallel_loop3A_422 = arith.index_cast %rem3A_131 : i32 to index
        %parallel_loop3A_423 = arith.index_cast %parallel_loop3A_403 : i32 to index
        %parallel_loop3A_424 = arith.constant 304 : index
        %parallel_loop3A_425 = tpu.vector_load %arg8[%parallel_loop3A_422, %parallel_loop3A_423, %parallel_loop3A_424] {strides = array<i32>} : memref<4x32x768xf32, #tpu.memory_space<vmem>>, vector<1x1x16xf32>,
        %parallel_loop3A_426 = vector.shape_cast %parallel_loop3A_425 : vector<1x1x16xf32> to vector<16xf32>
        %parallel_loop3A_427 = vector.shape_cast %get3A_255 : vector<16xf32> to vector<1x1x16xf32>
        tpu.vector_store %arg8[%parallel_loop3A_422, %parallel_loop3A_423, %parallel_loop3A_424], %parallel_loop3A_427 {add = true, strides = array<i32>} : memref<4x32x768xf32, #tpu.memory_space<vmem>>, vector<1x1x16xf32>,
        %parallel_loop3A_428 = arith.index_cast %rem3A_131 : i32 to index
        %parallel_loop3A_429 = arith.index_cast %parallel_loop3A_403 : i32 to index
        %parallel_loop3A_430 = arith.constant 320 : index
        %parallel_loop3A_431 = tpu.vector_load %arg8[%parallel_loop3A_428, %parallel_loop3A_429, %parallel_loop3A_430] {strides = array<i32>} : memref<4x32x768xf32, #tpu.memory_space<vmem>>, vector<1x1x16xf32>,
        %parallel_loop3A_432 = vector.shape_cast %parallel_loop3A_431 : vector<1x1x16xf32> to vector<16xf32>
        %parallel_loop3A_433 = vector.shape_cast %get3A_259 : vector<16xf32> to vector<1x1x16xf32>
        tpu.vector_store %arg8[%parallel_loop3A_428, %parallel_loop3A_429, %parallel_loop3A_430], %parallel_loop3A_433 {add = true, strides = array<i32>} : memref<4x32x768xf32, #tpu.memory_space<vmem>>, vector<1x1x16xf32>,
        %parallel_loop3A_434 = arith.index_cast %rem3A_131 : i32 to index
        %parallel_loop3A_435 = arith.index_cast %parallel_loop3A_403 : i32 to index
        %parallel_loop3A_436 = arith.constant 336 : index
        %parallel_loop3A_437 = tpu.vector_load %arg8[%parallel_loop3A_434, %parallel_loop3A_435, %parallel_loop3A_436] {strides = array<i32>} : memref<4x32x768xf32, #tpu.memory_space<vmem>>, vector<1x1x16xf32>,
        %parallel_loop3A_438 = vector.shape_cast %parallel_loop3A_437 : vector<1x1x16xf32> to vector<16xf32>
        %parallel_loop3A_439 = vector.shape_cast %get3A_263 : vector<16xf32> to vector<1x1x16xf32>
        tpu.vector_store %arg8[%parallel_loop3A_434, %parallel_loop3A_435, %parallel_loop3A_436], %parallel_loop3A_439 {add = true, strides = array<i32>} : memref<4x32x768xf32, #tpu.memory_space<vmem>>, vector<1x1x16xf32>,
        %parallel_loop3A_440 = arith.index_cast %rem3A_131 : i32 to index
        %parallel_loop3A_441 = arith.index_cast %parallel_loop3A_403 : i32 to index
        %parallel_loop3A_442 = arith.constant 352 : index
        %parallel_loop3A_443 = tpu.vector_load %arg8[%parallel_loop3A_440, %parallel_loop3A_441, %parallel_loop3A_442] {strides = array<i32>} : memref<4x32x768xf32, #tpu.memory_space<vmem>>, vector<1x1x16xf32>,
        %parallel_loop3A_444 = vector.shape_cast %parallel_loop3A_443 : vector<1x1x16xf32> to vector<16xf32>
        %parallel_loop3A_445 = vector.shape_cast %get3A_267 : vector<16xf32> to vector<1x1x16xf32>
        tpu.vector_store %arg8[%parallel_loop3A_440, %parallel_loop3A_441, %parallel_loop3A_442], %parallel_loop3A_445 {add = true, strides = array<i32>} : memref<4x32x768xf32, #tpu.memory_space<vmem>>, vector<1x1x16xf32>,
        %parallel_loop3A_446 = arith.index_cast %rem3A_131 : i32 to index
        %parallel_loop3A_447 = arith.index_cast %parallel_loop3A_403 : i32 to index
        %parallel_loop3A_448 = arith.constant 368 : index
        %parallel_loop3A_449 = tpu.vector_load %arg8[%parallel_loop3A_446, %parallel_loop3A_447, %parallel_loop3A_448] {strides = array<i32>} : memref<4x32x768xf32, #tpu.memory_space<vmem>>, vector<1x1x16xf32>,
        %parallel_loop3A_450 = vector.shape_cast %parallel_loop3A_449 : vector<1x1x16xf32> to vector<16xf32>
        %parallel_loop3A_451 = vector.shape_cast %get3A_271 : vector<16xf32> to vector<1x1x16xf32>
        tpu.vector_store %arg8[%parallel_loop3A_446, %parallel_loop3A_447, %parallel_loop3A_448], %parallel_loop3A_451 {add = true, strides = array<i32>} : memref<4x32x768xf32, #tpu.memory_space<vmem>>, vector<1x1x16xf32>,
      } {sc.loop_unroll_factor = 4 : i64, sc.parallel_access}
      %get3A_275 = arith.index_cast %rem3A_131 : i32 to index
      %get3A_276 = arith.constant 384 : index
      %get3A_277 = tpu.vector_load %arg7[%get3A_275, %get3A_276] {strides = array<i32>} : memref<4x768xf32, #tpu.memory_space<vmem>>, vector<1x16xf32>,
      %get3A_278 = vector.shape_cast %get3A_277 : vector<1x16xf32> to vector<16xf32>
      %get3A_279 = arith.index_cast %rem3A_131 : i32 to index
      %get3A_280 = arith.constant 400 : index
      %get3A_281 = tpu.vector_load %arg7[%get3A_279, %get3A_280] {strides = array<i32>} : memref<4x768xf32, #tpu.memory_space<vmem>>, vector<1x16xf32>,
      %get3A_282 = vector.shape_cast %get3A_281 : vector<1x16xf32> to vector<16xf32>
      %get3A_283 = arith.index_cast %rem3A_131 : i32 to index
      %get3A_284 = arith.constant 416 : index
      %get3A_285 = tpu.vector_load %arg7[%get3A_283, %get3A_284] {strides = array<i32>} : memref<4x768xf32, #tpu.memory_space<vmem>>, vector<1x16xf32>,
      %get3A_286 = vector.shape_cast %get3A_285 : vector<1x16xf32> to vector<16xf32>
      %get3A_287 = arith.index_cast %rem3A_131 : i32 to index
      %get3A_288 = arith.constant 432 : index
      %get3A_289 = tpu.vector_load %arg7[%get3A_287, %get3A_288] {strides = array<i32>} : memref<4x768xf32, #tpu.memory_space<vmem>>, vector<1x16xf32>,
      %get3A_290 = vector.shape_cast %get3A_289 : vector<1x16xf32> to vector<16xf32>
      %get3A_291 = arith.index_cast %rem3A_131 : i32 to index
      %get3A_292 = arith.constant 448 : index
      %get3A_293 = tpu.vector_load %arg7[%get3A_291, %get3A_292] {strides = array<i32>} : memref<4x768xf32, #tpu.memory_space<vmem>>, vector<1x16xf32>,
      %get3A_294 = vector.shape_cast %get3A_293 : vector<1x16xf32> to vector<16xf32>
      %get3A_295 = arith.index_cast %rem3A_131 : i32 to index
      %get3A_296 = arith.constant 464 : index
      %get3A_297 = tpu.vector_load %arg7[%get3A_295, %get3A_296] {strides = array<i32>} : memref<4x768xf32, #tpu.memory_space<vmem>>, vector<1x16xf32>,
      %get3A_298 = vector.shape_cast %get3A_297 : vector<1x16xf32> to vector<16xf32>
      %get3A_299 = arith.index_cast %rem3A_131 : i32 to index
      %get3A_300 = arith.constant 480 : index
      %get3A_301 = tpu.vector_load %arg7[%get3A_299, %get3A_300] {strides = array<i32>} : memref<4x768xf32, #tpu.memory_space<vmem>>, vector<1x16xf32>,
      %get3A_302 = vector.shape_cast %get3A_301 : vector<1x16xf32> to vector<16xf32>
      %get3A_303 = arith.index_cast %rem3A_131 : i32 to index
      %get3A_304 = arith.constant 496 : index
      %get3A_305 = tpu.vector_load %arg7[%get3A_303, %get3A_304] {strides = array<i32>} : memref<4x768xf32, #tpu.memory_space<vmem>>, vector<1x16xf32>,
      %get3A_306 = vector.shape_cast %get3A_305 : vector<1x16xf32> to vector<16xf32>
      %parallel_loop3A_307 = arith.constant 0 : i32
      %parallel_loop3A_308 = arith.constant 32 : i32
      %parallel_loop3A_309 = arith.constant 1 : i32
      scf.for %parallel_loop3A_403 = %parallel_loop3A_307 to %parallel_loop3A_308 step %parallel_loop3A_309  : i32 {
        %parallel_loop3A_404 = arith.index_cast %rem3A_131 : i32 to index
        %parallel_loop3A_405 = arith.index_cast %parallel_loop3A_403 : i32 to index
        %parallel_loop3A_406 = arith.constant 384 : index
        %parallel_loop3A_407 = tpu.vector_load %arg8[%parallel_loop3A_404, %parallel_loop3A_405, %parallel_loop3A_406] {strides = array<i32>} : memref<4x32x768xf32, #tpu.memory_space<vmem>>, vector<1x1x16xf32>,
        %parallel_loop3A_408 = vector.shape_cast %parallel_loop3A_407 : vector<1x1x16xf32> to vector<16xf32>
        %parallel_loop3A_409 = vector.shape_cast %get3A_278 : vector<16xf32> to vector<1x1x16xf32>
        tpu.vector_store %arg8[%parallel_loop3A_404, %parallel_loop3A_405, %parallel_loop3A_406], %parallel_loop3A_409 {add = true, strides = array<i32>} : memref<4x32x768xf32, #tpu.memory_space<vmem>>, vector<1x1x16xf32>,
        %parallel_loop3A_410 = arith.index_cast %rem3A_131 : i32 to index
        %parallel_loop3A_411 = arith.index_cast %parallel_loop3A_403 : i32 to index
        %parallel_loop3A_412 = arith.constant 400 : index
        %parallel_loop3A_413 = tpu.vector_load %arg8[%parallel_loop3A_410, %parallel_loop3A_411, %parallel_loop3A_412] {strides = array<i32>} : memref<4x32x768xf32, #tpu.memory_space<vmem>>, vector<1x1x16xf32>,
        %parallel_loop3A_414 = vector.shape_cast %parallel_loop3A_413 : vector<1x1x16xf32> to vector<16xf32>
        %parallel_loop3A_415 = vector.shape_cast %get3A_282 : vector<16xf32> to vector<1x1x16xf32>
        tpu.vector_store %arg8[%parallel_loop3A_410, %parallel_loop3A_411, %parallel_loop3A_412], %parallel_loop3A_415 {add = true, strides = array<i32>} : memref<4x32x768xf32, #tpu.memory_space<vmem>>, vector<1x1x16xf32>,
        %parallel_loop3A_416 = arith.index_cast %rem3A_131 : i32 to index
        %parallel_loop3A_417 = arith.index_cast %parallel_loop3A_403 : i32 to index
        %parallel_loop3A_418 = arith.constant 416 : index
        %parallel_loop3A_419 = tpu.vector_load %arg8[%parallel_loop3A_416, %parallel_loop3A_417, %parallel_loop3A_418] {strides = array<i32>} : memref<4x32x768xf32, #tpu.memory_space<vmem>>, vector<1x1x16xf32>,
        %parallel_loop3A_420 = vector.shape_cast %parallel_loop3A_419 : vector<1x1x16xf32> to vector<16xf32>
        %parallel_loop3A_421 = vector.shape_cast %get3A_286 : vector<16xf32> to vector<1x1x16xf32>
        tpu.vector_store %arg8[%parallel_loop3A_416, %parallel_loop3A_417, %parallel_loop3A_418], %parallel_loop3A_421 {add = true, strides = array<i32>} : memref<4x32x768xf32, #tpu.memory_space<vmem>>, vector<1x1x16xf32>,
        %parallel_loop3A_422 = arith.index_cast %rem3A_131 : i32 to index
        %parallel_loop3A_423 = arith.index_cast %parallel_loop3A_403 : i32 to index
        %parallel_loop3A_424 = arith.constant 432 : index
        %parallel_loop3A_425 = tpu.vector_load %arg8[%parallel_loop3A_422, %parallel_loop3A_423, %parallel_loop3A_424] {strides = array<i32>} : memref<4x32x768xf32, #tpu.memory_space<vmem>>, vector<1x1x16xf32>,
        %parallel_loop3A_426 = vector.shape_cast %parallel_loop3A_425 : vector<1x1x16xf32> to vector<16xf32>
        %parallel_loop3A_427 = vector.shape_cast %get3A_290 : vector<16xf32> to vector<1x1x16xf32>
        tpu.vector_store %arg8[%parallel_loop3A_422, %parallel_loop3A_423, %parallel_loop3A_424], %parallel_loop3A_427 {add = true, strides = array<i32>} : memref<4x32x768xf32, #tpu.memory_space<vmem>>, vector<1x1x16xf32>,
        %parallel_loop3A_428 = arith.index_cast %rem3A_131 : i32 to index
        %parallel_loop3A_429 = arith.index_cast %parallel_loop3A_403 : i32 to index
        %parallel_loop3A_430 = arith.constant 448 : index
        %parallel_loop3A_431 = tpu.vector_load %arg8[%parallel_loop3A_428, %parallel_loop3A_429, %parallel_loop3A_430] {strides = array<i32>} : memref<4x32x768xf32, #tpu.memory_space<vmem>>, vector<1x1x16xf32>,
        %parallel_loop3A_432 = vector.shape_cast %parallel_loop3A_431 : vector<1x1x16xf32> to vector<16xf32>
        %parallel_loop3A_433 = vector.shape_cast %get3A_294 : vector<16xf32> to vector<1x1x16xf32>
        tpu.vector_store %arg8[%parallel_loop3A_428, %parallel_loop3A_429, %parallel_loop3A_430], %parallel_loop3A_433 {add = true, strides = array<i32>} : memref<4x32x768xf32, #tpu.memory_space<vmem>>, vector<1x1x16xf32>,
        %parallel_loop3A_434 = arith.index_cast %rem3A_131 : i32 to index
        %parallel_loop3A_435 = arith.index_cast %parallel_loop3A_403 : i32 to index
        %parallel_loop3A_436 = arith.constant 464 : index
        %parallel_loop3A_437 = tpu.vector_load %arg8[%parallel_loop3A_434, %parallel_loop3A_435, %parallel_loop3A_436] {strides = array<i32>} : memref<4x32x768xf32, #tpu.memory_space<vmem>>, vector<1x1x16xf32>,
        %parallel_loop3A_438 = vector.shape_cast %parallel_loop3A_437 : vector<1x1x16xf32> to vector<16xf32>
        %parallel_loop3A_439 = vector.shape_cast %get3A_298 : vector<16xf32> to vector<1x1x16xf32>
        tpu.vector_store %arg8[%parallel_loop3A_434, %parallel_loop3A_435, %parallel_loop3A_436], %parallel_loop3A_439 {add = true, strides = array<i32>} : memref<4x32x768xf32, #tpu.memory_space<vmem>>, vector<1x1x16xf32>,
        %parallel_loop3A_440 = arith.index_cast %rem3A_131 : i32 to index
        %parallel_loop3A_441 = arith.index_cast %parallel_loop3A_403 : i32 to index
        %parallel_loop3A_442 = arith.constant 480 : index
        %parallel_loop3A_443 = tpu.vector_load %arg8[%parallel_loop3A_440, %parallel_loop3A_441, %parallel_loop3A_442] {strides = array<i32>} : memref<4x32x768xf32, #tpu.memory_space<vmem>>, vector<1x1x16xf32>,
        %parallel_loop3A_444 = vector.shape_cast %parallel_loop3A_443 : vector<1x1x16xf32> to vector<16xf32>
        %parallel_loop3A_445 = vector.shape_cast %get3A_302 : vector<16xf32> to vector<1x1x16xf32>
        tpu.vector_store %arg8[%parallel_loop3A_440, %parallel_loop3A_441, %parallel_loop3A_442], %parallel_loop3A_445 {add = true, strides = array<i32>} : memref<4x32x768xf32, #tpu.memory_space<vmem>>, vector<1x1x16xf32>,
        %parallel_loop3A_446 = arith.index_cast %rem3A_131 : i32 to index
        %parallel_loop3A_447 = arith.index_cast %parallel_loop3A_403 : i32 to index
        %parallel_loop3A_448 = arith.constant 496 : index
        %parallel_loop3A_449 = tpu.vector_load %arg8[%parallel_loop3A_446, %parallel_loop3A_447, %parallel_loop3A_448] {strides = array<i32>} : memref<4x32x768xf32, #tpu.memory_space<vmem>>, vector<1x1x16xf32>,
        %parallel_loop3A_450 = vector.shape_cast %parallel_loop3A_449 : vector<1x1x16xf32> to vector<16xf32>
        %parallel_loop3A_451 = vector.shape_cast %get3A_306 : vector<16xf32> to vector<1x1x16xf32>
        tpu.vector_store %arg8[%parallel_loop3A_446, %parallel_loop3A_447, %parallel_loop3A_448], %parallel_loop3A_451 {add = true, strides = array<i32>} : memref<4x32x768xf32, #tpu.memory_space<vmem>>, vector<1x1x16xf32>,
      } {sc.loop_unroll_factor = 4 : i64, sc.parallel_access}
      %get3A_310 = arith.index_cast %rem3A_131 : i32 to index
      %get3A_311 = arith.constant 512 : index
      %get3A_312 = tpu.vector_load %arg7[%get3A_310, %get3A_311] {strides = array<i32>} : memref<4x768xf32, #tpu.memory_space<vmem>>, vector<1x16xf32>,
      %get3A_313 = vector.shape_cast %get3A_312 : vector<1x16xf32> to vector<16xf32>
      %get3A_314 = arith.index_cast %rem3A_131 : i32 to index
      %get3A_315 = arith.constant 528 : index
      %get3A_316 = tpu.vector_load %arg7[%get3A_314, %get3A_315] {strides = array<i32>} : memref<4x768xf32, #tpu.memory_space<vmem>>, vector<1x16xf32>,
      %get3A_317 = vector.shape_cast %get3A_316 : vector<1x16xf32> to vector<16xf32>
      %get3A_318 = arith.index_cast %rem3A_131 : i32 to index
      %get3A_319 = arith.constant 544 : index
      %get3A_320 = tpu.vector_load %arg7[%get3A_318, %get3A_319] {strides = array<i32>} : memref<4x768xf32, #tpu.memory_space<vmem>>, vector<1x16xf32>,
      %get3A_321 = vector.shape_cast %get3A_320 : vector<1x16xf32> to vector<16xf32>
      %get3A_322 = arith.index_cast %rem3A_131 : i32 to index
      %get3A_323 = arith.constant 560 : index
      %get3A_324 = tpu.vector_load %arg7[%get3A_322, %get3A_323] {strides = array<i32>} : memref<4x768xf32, #tpu.memory_space<vmem>>, vector<1x16xf32>,
      %get3A_325 = vector.shape_cast %get3A_324 : vector<1x16xf32> to vector<16xf32>
      %get3A_326 = arith.index_cast %rem3A_131 : i32 to index
      %get3A_327 = arith.constant 576 : index
      %get3A_328 = tpu.vector_load %arg7[%get3A_326, %get3A_327] {strides = array<i32>} : memref<4x768xf32, #tpu.memory_space<vmem>>, vector<1x16xf32>,
      %get3A_329 = vector.shape_cast %get3A_328 : vector<1x16xf32> to vector<16xf32>
      %get3A_330 = arith.index_cast %rem3A_131 : i32 to index
      %get3A_331 = arith.constant 592 : index
      %get3A_332 = tpu.vector_load %arg7[%get3A_330, %get3A_331] {strides = array<i32>} : memref<4x768xf32, #tpu.memory_space<vmem>>, vector<1x16xf32>,
      %get3A_333 = vector.shape_cast %get3A_332 : vector<1x16xf32> to vector<16xf32>
      %get3A_334 = arith.index_cast %rem3A_131 : i32 to index
      %get3A_335 = arith.constant 608 : index
      %get3A_336 = tpu.vector_load %arg7[%get3A_334, %get3A_335] {strides = array<i32>} : memref<4x768xf32, #tpu.memory_space<vmem>>, vector<1x16xf32>,
      %get3A_337 = vector.shape_cast %get3A_336 : vector<1x16xf32> to vector<16xf32>
      %get3A_338 = arith.index_cast %rem3A_131 : i32 to index
      %get3A_339 = arith.constant 624 : index
      %get3A_340 = tpu.vector_load %arg7[%get3A_338, %get3A_339] {strides = array<i32>} : memref<4x768xf32, #tpu.memory_space<vmem>>, vector<1x16xf32>,
      %get3A_341 = vector.shape_cast %get3A_340 : vector<1x16xf32> to vector<16xf32>
      %parallel_loop3A_342 = arith.constant 0 : i32
      %parallel_loop3A_343 = arith.constant 32 : i32
      %parallel_loop3A_344 = arith.constant 1 : i32
      scf.for %parallel_loop3A_403 = %parallel_loop3A_342 to %parallel_loop3A_343 step %parallel_loop3A_344  : i32 {
        %parallel_loop3A_404 = arith.index_cast %rem3A_131 : i32 to index
        %parallel_loop3A_405 = arith.index_cast %parallel_loop3A_403 : i32 to index
        %parallel_loop3A_406 = arith.constant 512 : index
        %parallel_loop3A_407 = tpu.vector_load %arg8[%parallel_loop3A_404, %parallel_loop3A_405, %parallel_loop3A_406] {strides = array<i32>} : memref<4x32x768xf32, #tpu.memory_space<vmem>>, vector<1x1x16xf32>,
        %parallel_loop3A_408 = vector.shape_cast %parallel_loop3A_407 : vector<1x1x16xf32> to vector<16xf32>
        %parallel_loop3A_409 = vector.shape_cast %get3A_313 : vector<16xf32> to vector<1x1x16xf32>
        tpu.vector_store %arg8[%parallel_loop3A_404, %parallel_loop3A_405, %parallel_loop3A_406], %parallel_loop3A_409 {add = true, strides = array<i32>} : memref<4x32x768xf32, #tpu.memory_space<vmem>>, vector<1x1x16xf32>,
        %parallel_loop3A_410 = arith.index_cast %rem3A_131 : i32 to index
        %parallel_loop3A_411 = arith.index_cast %parallel_loop3A_403 : i32 to index
        %parallel_loop3A_412 = arith.constant 528 : index
        %parallel_loop3A_413 = tpu.vector_load %arg8[%parallel_loop3A_410, %parallel_loop3A_411, %parallel_loop3A_412] {strides = array<i32>} : memref<4x32x768xf32, #tpu.memory_space<vmem>>, vector<1x1x16xf32>,
        %parallel_loop3A_414 = vector.shape_cast %parallel_loop3A_413 : vector<1x1x16xf32> to vector<16xf32>
        %parallel_loop3A_415 = vector.shape_cast %get3A_317 : vector<16xf32> to vector<1x1x16xf32>
        tpu.vector_store %arg8[%parallel_loop3A_410, %parallel_loop3A_411, %parallel_loop3A_412], %parallel_loop3A_415 {add = true, strides = array<i32>} : memref<4x32x768xf32, #tpu.memory_space<vmem>>, vector<1x1x16xf32>,
        %parallel_loop3A_416 = arith.index_cast %rem3A_131 : i32 to index
        %parallel_loop3A_417 = arith.index_cast %parallel_loop3A_403 : i32 to index
        %parallel_loop3A_418 = arith.constant 544 : index
        %parallel_loop3A_419 = tpu.vector_load %arg8[%parallel_loop3A_416, %parallel_loop3A_417, %parallel_loop3A_418] {strides = array<i32>} : memref<4x32x768xf32, #tpu.memory_space<vmem>>, vector<1x1x16xf32>,
        %parallel_loop3A_420 = vector.shape_cast %parallel_loop3A_419 : vector<1x1x16xf32> to vector<16xf32>
        %parallel_loop3A_421 = vector.shape_cast %get3A_321 : vector<16xf32> to vector<1x1x16xf32>
        tpu.vector_store %arg8[%parallel_loop3A_416, %parallel_loop3A_417, %parallel_loop3A_418], %parallel_loop3A_421 {add = true, strides = array<i32>} : memref<4x32x768xf32, #tpu.memory_space<vmem>>, vector<1x1x16xf32>,
        %parallel_loop3A_422 = arith.index_cast %rem3A_131 : i32 to index
        %parallel_loop3A_423 = arith.index_cast %parallel_loop3A_403 : i32 to index
        %parallel_loop3A_424 = arith.constant 560 : index
        %parallel_loop3A_425 = tpu.vector_load %arg8[%parallel_loop3A_422, %parallel_loop3A_423, %parallel_loop3A_424] {strides = array<i32>} : memref<4x32x768xf32, #tpu.memory_space<vmem>>, vector<1x1x16xf32>,
        %parallel_loop3A_426 = vector.shape_cast %parallel_loop3A_425 : vector<1x1x16xf32> to vector<16xf32>
        %parallel_loop3A_427 = vector.shape_cast %get3A_325 : vector<16xf32> to vector<1x1x16xf32>
        tpu.vector_store %arg8[%parallel_loop3A_422, %parallel_loop3A_423, %parallel_loop3A_424], %parallel_loop3A_427 {add = true, strides = array<i32>} : memref<4x32x768xf32, #tpu.memory_space<vmem>>, vector<1x1x16xf32>,
        %parallel_loop3A_428 = arith.index_cast %rem3A_131 : i32 to index
        %parallel_loop3A_429 = arith.index_cast %parallel_loop3A_403 : i32 to index
        %parallel_loop3A_430 = arith.constant 576 : index
        %parallel_loop3A_431 = tpu.vector_load %arg8[%parallel_loop3A_428, %parallel_loop3A_429, %parallel_loop3A_430] {strides = array<i32>} : memref<4x32x768xf32, #tpu.memory_space<vmem>>, vector<1x1x16xf32>,
        %parallel_loop3A_432 = vector.shape_cast %parallel_loop3A_431 : vector<1x1x16xf32> to vector<16xf32>
        %parallel_loop3A_433 = vector.shape_cast %get3A_329 : vector<16xf32> to vector<1x1x16xf32>
        tpu.vector_store %arg8[%parallel_loop3A_428, %parallel_loop3A_429, %parallel_loop3A_430], %parallel_loop3A_433 {add = true, strides = array<i32>} : memref<4x32x768xf32, #tpu.memory_space<vmem>>, vector<1x1x16xf32>,
        %parallel_loop3A_434 = arith.index_cast %rem3A_131 : i32 to index
        %parallel_loop3A_435 = arith.index_cast %parallel_loop3A_403 : i32 to index
        %parallel_loop3A_436 = arith.constant 592 : index
        %parallel_loop3A_437 = tpu.vector_load %arg8[%parallel_loop3A_434, %parallel_loop3A_435, %parallel_loop3A_436] {strides = array<i32>} : memref<4x32x768xf32, #tpu.memory_space<vmem>>, vector<1x1x16xf32>,
        %parallel_loop3A_438 = vector.shape_cast %parallel_loop3A_437 : vector<1x1x16xf32> to vector<16xf32>
        %parallel_loop3A_439 = vector.shape_cast %get3A_333 : vector<16xf32> to vector<1x1x16xf32>
        tpu.vector_store %arg8[%parallel_loop3A_434, %parallel_loop3A_435, %parallel_loop3A_436], %parallel_loop3A_439 {add = true, strides = array<i32>} : memref<4x32x768xf32, #tpu.memory_space<vmem>>, vector<1x1x16xf32>,
        %parallel_loop3A_440 = arith.index_cast %rem3A_131 : i32 to index
        %parallel_loop3A_441 = arith.index_cast %parallel_loop3A_403 : i32 to index
        %parallel_loop3A_442 = arith.constant 608 : index
        %parallel_loop3A_443 = tpu.vector_load %arg8[%parallel_loop3A_440, %parallel_loop3A_441, %parallel_loop3A_442] {strides = array<i32>} : memref<4x32x768xf32, #tpu.memory_space<vmem>>, vector<1x1x16xf32>,
        %parallel_loop3A_444 = vector.shape_cast %parallel_loop3A_443 : vector<1x1x16xf32> to vector<16xf32>
        %parallel_loop3A_445 = vector.shape_cast %get3A_337 : vector<16xf32> to vector<1x1x16xf32>
        tpu.vector_store %arg8[%parallel_loop3A_440, %parallel_loop3A_441, %parallel_loop3A_442], %parallel_loop3A_445 {add = true, strides = array<i32>} : memref<4x32x768xf32, #tpu.memory_space<vmem>>, vector<1x1x16xf32>,
        %parallel_loop3A_446 = arith.index_cast %rem3A_131 : i32 to index
        %parallel_loop3A_447 = arith.index_cast %parallel_loop3A_403 : i32 to index
        %parallel_loop3A_448 = arith.constant 624 : index
        %parallel_loop3A_449 = tpu.vector_load %arg8[%parallel_loop3A_446, %parallel_loop3A_447, %parallel_loop3A_448] {strides = array<i32>} : memref<4x32x768xf32, #tpu.memory_space<vmem>>, vector<1x1x16xf32>,
        %parallel_loop3A_450 = vector.shape_cast %parallel_loop3A_449 : vector<1x1x16xf32> to vector<16xf32>
        %parallel_loop3A_451 = vector.shape_cast %get3A_341 : vector<16xf32> to vector<1x1x16xf32>
        tpu.vector_store %arg8[%parallel_loop3A_446, %parallel_loop3A_447, %parallel_loop3A_448], %parallel_loop3A_451 {add = true, strides = array<i32>} : memref<4x32x768xf32, #tpu.memory_space<vmem>>, vector<1x1x16xf32>,
      } {sc.loop_unroll_factor = 4 : i64, sc.parallel_access}
      %get3A_345 = arith.index_cast %rem3A_131 : i32 to index
      %get3A_346 = arith.constant 640 : index
      %get3A_347 = tpu.vector_load %arg7[%get3A_345, %get3A_346] {strides = array<i32>} : memref<4x768xf32, #tpu.memory_space<vmem>>, vector<1x16xf32>,
      %get3A_348 = vector.shape_cast %get3A_347 : vector<1x16xf32> to vector<16xf32>
      %get3A_349 = arith.index_cast %rem3A_131 : i32 to index
      %get3A_350 = arith.constant 656 : index
      %get3A_351 = tpu.vector_load %arg7[%get3A_349, %get3A_350] {strides = array<i32>} : memref<4x768xf32, #tpu.memory_space<vmem>>, vector<1x16xf32>,
      %get3A_352 = vector.shape_cast %get3A_351 : vector<1x16xf32> to vector<16xf32>
      %get3A_353 = arith.index_cast %rem3A_131 : i32 to index
      %get3A_354 = arith.constant 672 : index
      %get3A_355 = tpu.vector_load %arg7[%get3A_353, %get3A_354] {strides = array<i32>} : memref<4x768xf32, #tpu.memory_space<vmem>>, vector<1x16xf32>,
      %get3A_356 = vector.shape_cast %get3A_355 : vector<1x16xf32> to vector<16xf32>
      %get3A_357 = arith.index_cast %rem3A_131 : i32 to index
      %get3A_358 = arith.constant 688 : index
      %get3A_359 = tpu.vector_load %arg7[%get3A_357, %get3A_358] {strides = array<i32>} : memref<4x768xf32, #tpu.memory_space<vmem>>, vector<1x16xf32>,
      %get3A_360 = vector.shape_cast %get3A_359 : vector<1x16xf32> to vector<16xf32>
      %get3A_361 = arith.index_cast %rem3A_131 : i32 to index
      %get3A_362 = arith.constant 704 : index
      %get3A_363 = tpu.vector_load %arg7[%get3A_361, %get3A_362] {strides = array<i32>} : memref<4x768xf32, #tpu.memory_space<vmem>>, vector<1x16xf32>,
      %get3A_364 = vector.shape_cast %get3A_363 : vector<1x16xf32> to vector<16xf32>
      %get3A_365 = arith.index_cast %rem3A_131 : i32 to index
      %get3A_366 = arith.constant 720 : index
      %get3A_367 = tpu.vector_load %arg7[%get3A_365, %get3A_366] {strides = array<i32>} : memref<4x768xf32, #tpu.memory_space<vmem>>, vector<1x16xf32>,
      %get3A_368 = vector.shape_cast %get3A_367 : vector<1x16xf32> to vector<16xf32>
      %get3A_369 = arith.index_cast %rem3A_131 : i32 to index
      %get3A_370 = arith.constant 736 : index
      %get3A_371 = tpu.vector_load %arg7[%get3A_369, %get3A_370] {strides = array<i32>} : memref<4x768xf32, #tpu.memory_space<vmem>>, vector<1x16xf32>,
      %get3A_372 = vector.shape_cast %get3A_371 : vector<1x16xf32> to vector<16xf32>
      %get3A_373 = arith.index_cast %rem3A_131 : i32 to index
      %get3A_374 = arith.constant 752 : index
      %get3A_375 = tpu.vector_load %arg7[%get3A_373, %get3A_374] {strides = array<i32>} : memref<4x768xf32, #tpu.memory_space<vmem>>, vector<1x16xf32>,
      %get3A_376 = vector.shape_cast %get3A_375 : vector<1x16xf32> to vector<16xf32>
      %parallel_loop3A_377 = arith.constant 0 : i32
      %parallel_loop3A_378 = arith.constant 32 : i32
      %parallel_loop3A_379 = arith.constant 1 : i32
      scf.for %parallel_loop3A_403 = %parallel_loop3A_377 to %parallel_loop3A_378 step %parallel_loop3A_379  : i32 {
        %parallel_loop3A_404 = arith.index_cast %rem3A_131 : i32 to index
        %parallel_loop3A_405 = arith.index_cast %parallel_loop3A_403 : i32 to index
        %parallel_loop3A_406 = arith.constant 640 : index
        %parallel_loop3A_407 = tpu.vector_load %arg8[%parallel_loop3A_404, %parallel_loop3A_405, %parallel_loop3A_406] {strides = array<i32>} : memref<4x32x768xf32, #tpu.memory_space<vmem>>, vector<1x1x16xf32>,
        %parallel_loop3A_408 = vector.shape_cast %parallel_loop3A_407 : vector<1x1x16xf32> to vector<16xf32>
        %parallel_loop3A_409 = vector.shape_cast %get3A_348 : vector<16xf32> to vector<1x1x16xf32>
        tpu.vector_store %arg8[%parallel_loop3A_404, %parallel_loop3A_405, %parallel_loop3A_406], %parallel_loop3A_409 {add = true, strides = array<i32>} : memref<4x32x768xf32, #tpu.memory_space<vmem>>, vector<1x1x16xf32>,
        %parallel_loop3A_410 = arith.index_cast %rem3A_131 : i32 to index
        %parallel_loop3A_411 = arith.index_cast %parallel_loop3A_403 : i32 to index
        %parallel_loop3A_412 = arith.constant 656 : index
        %parallel_loop3A_413 = tpu.vector_load %arg8[%parallel_loop3A_410, %parallel_loop3A_411, %parallel_loop3A_412] {strides = array<i32>} : memref<4x32x768xf32, #tpu.memory_space<vmem>>, vector<1x1x16xf32>,
        %parallel_loop3A_414 = vector.shape_cast %parallel_loop3A_413 : vector<1x1x16xf32> to vector<16xf32>
        %parallel_loop3A_415 = vector.shape_cast %get3A_352 : vector<16xf32> to vector<1x1x16xf32>
        tpu.vector_store %arg8[%parallel_loop3A_410, %parallel_loop3A_411, %parallel_loop3A_412], %parallel_loop3A_415 {add = true, strides = array<i32>} : memref<4x32x768xf32, #tpu.memory_space<vmem>>, vector<1x1x16xf32>,
        %parallel_loop3A_416 = arith.index_cast %rem3A_131 : i32 to index
        %parallel_loop3A_417 = arith.index_cast %parallel_loop3A_403 : i32 to index
        %parallel_loop3A_418 = arith.constant 672 : index
        %parallel_loop3A_419 = tpu.vector_load %arg8[%parallel_loop3A_416, %parallel_loop3A_417, %parallel_loop3A_418] {strides = array<i32>} : memref<4x32x768xf32, #tpu.memory_space<vmem>>, vector<1x1x16xf32>,
        %parallel_loop3A_420 = vector.shape_cast %parallel_loop3A_419 : vector<1x1x16xf32> to vector<16xf32>
        %parallel_loop3A_421 = vector.shape_cast %get3A_356 : vector<16xf32> to vector<1x1x16xf32>
        tpu.vector_store %arg8[%parallel_loop3A_416, %parallel_loop3A_417, %parallel_loop3A_418], %parallel_loop3A_421 {add = true, strides = array<i32>} : memref<4x32x768xf32, #tpu.memory_space<vmem>>, vector<1x1x16xf32>,
        %parallel_loop3A_422 = arith.index_cast %rem3A_131 : i32 to index
        %parallel_loop3A_423 = arith.index_cast %parallel_loop3A_403 : i32 to index
        %parallel_loop3A_424 = arith.constant 688 : index
        %parallel_loop3A_425 = tpu.vector_load %arg8[%parallel_loop3A_422, %parallel_loop3A_423, %parallel_loop3A_424] {strides = array<i32>} : memref<4x32x768xf32, #tpu.memory_space<vmem>>, vector<1x1x16xf32>,
        %parallel_loop3A_426 = vector.shape_cast %parallel_loop3A_425 : vector<1x1x16xf32> to vector<16xf32>
        %parallel_loop3A_427 = vector.shape_cast %get3A_360 : vector<16xf32> to vector<1x1x16xf32>
        tpu.vector_store %arg8[%parallel_loop3A_422, %parallel_loop3A_423, %parallel_loop3A_424], %parallel_loop3A_427 {add = true, strides = array<i32>} : memref<4x32x768xf32, #tpu.memory_space<vmem>>, vector<1x1x16xf32>,
        %parallel_loop3A_428 = arith.index_cast %rem3A_131 : i32 to index
        %parallel_loop3A_429 = arith.index_cast %parallel_loop3A_403 : i32 to index
        %parallel_loop3A_430 = arith.constant 704 : index
        %parallel_loop3A_431 = tpu.vector_load %arg8[%parallel_loop3A_428, %parallel_loop3A_429, %parallel_loop3A_430] {strides = array<i32>} : memref<4x32x768xf32, #tpu.memory_space<vmem>>, vector<1x1x16xf32>,
        %parallel_loop3A_432 = vector.shape_cast %parallel_loop3A_431 : vector<1x1x16xf32> to vector<16xf32>
        %parallel_loop3A_433 = vector.shape_cast %get3A_364 : vector<16xf32> to vector<1x1x16xf32>
        tpu.vector_store %arg8[%parallel_loop3A_428, %parallel_loop3A_429, %parallel_loop3A_430], %parallel_loop3A_433 {add = true, strides = array<i32>} : memref<4x32x768xf32, #tpu.memory_space<vmem>>, vector<1x1x16xf32>,
        %parallel_loop3A_434 = arith.index_cast %rem3A_131 : i32 to index
        %parallel_loop3A_435 = arith.index_cast %parallel_loop3A_403 : i32 to index
        %parallel_loop3A_436 = arith.constant 720 : index
        %parallel_loop3A_437 = tpu.vector_load %arg8[%parallel_loop3A_434, %parallel_loop3A_435, %parallel_loop3A_436] {strides = array<i32>} : memref<4x32x768xf32, #tpu.memory_space<vmem>>, vector<1x1x16xf32>,
        %parallel_loop3A_438 = vector.shape_cast %parallel_loop3A_437 : vector<1x1x16xf32> to vector<16xf32>
        %parallel_loop3A_439 = vector.shape_cast %get3A_368 : vector<16xf32> to vector<1x1x16xf32>
        tpu.vector_store %arg8[%parallel_loop3A_434, %parallel_loop3A_435, %parallel_loop3A_436], %parallel_loop3A_439 {add = true, strides = array<i32>} : memref<4x32x768xf32, #tpu.memory_space<vmem>>, vector<1x1x16xf32>,
        %parallel_loop3A_440 = arith.index_cast %rem3A_131 : i32 to index
        %parallel_loop3A_441 = arith.index_cast %parallel_loop3A_403 : i32 to index
        %parallel_loop3A_442 = arith.constant 736 : index
        %parallel_loop3A_443 = tpu.vector_load %arg8[%parallel_loop3A_440, %parallel_loop3A_441, %parallel_loop3A_442] {strides = array<i32>} : memref<4x32x768xf32, #tpu.memory_space<vmem>>, vector<1x1x16xf32>,
        %parallel_loop3A_444 = vector.shape_cast %parallel_loop3A_443 : vector<1x1x16xf32> to vector<16xf32>
        %parallel_loop3A_445 = vector.shape_cast %get3A_372 : vector<16xf32> to vector<1x1x16xf32>
        tpu.vector_store %arg8[%parallel_loop3A_440, %parallel_loop3A_441, %parallel_loop3A_442], %parallel_loop3A_445 {add = true, strides = array<i32>} : memref<4x32x768xf32, #tpu.memory_space<vmem>>, vector<1x1x16xf32>,
        %parallel_loop3A_446 = arith.index_cast %rem3A_131 : i32 to index
        %parallel_loop3A_447 = arith.index_cast %parallel_loop3A_403 : i32 to index
        %parallel_loop3A_448 = arith.constant 752 : index
        %parallel_loop3A_449 = tpu.vector_load %arg8[%parallel_loop3A_446, %parallel_loop3A_447, %parallel_loop3A_448] {strides = array<i32>} : memref<4x32x768xf32, #tpu.memory_space<vmem>>, vector<1x1x16xf32>,
        %parallel_loop3A_450 = vector.shape_cast %parallel_loop3A_449 : vector<1x1x16xf32> to vector<16xf32>
        %parallel_loop3A_451 = vector.shape_cast %get3A_376 : vector<16xf32> to vector<1x1x16xf32>
        tpu.vector_store %arg8[%parallel_loop3A_446, %parallel_loop3A_447, %parallel_loop3A_448], %parallel_loop3A_451 {add = true, strides = array<i32>} : memref<4x32x768xf32, #tpu.memory_space<vmem>>, vector<1x1x16xf32>,
      } {sc.loop_unroll_factor = 4 : i64, sc.parallel_access}
      %div3A_380 = arith.constant 1 : i32
      %div3A_381 = arith.divsi %add3A_129, %div3A_380 : i32
      %rem3A_382 = arith.constant 1 : i32
      %rem3A_383 = arith.remsi %add3A_129, %rem3A_382 : i32
      %mul3A_384 = arith.constant 32 : i32
      %mul3A_385 = arith.muli %rem3A_383, %mul3A_384 : i32
      %add3A_386 = arith.addi %mul3A_2, %mul3A_385 : i32
      %dma_start3A_387 = arith.constant 0 : i32
      %dma_start3A_388 = arith.constant 0 : i32
      %dma_start3A_389 = tpu.memref_slice %arg8[%rem3A_131, %dma_start3A_387, %dma_start3A_388] : memref<4x32x768xf32, #tpu.memory_space<vmem>> -> memref<1x32x768xf32, #tpu.memory_space<vmem>>
      %dma_start3A_390 = tpu.memref_squeeze %dma_start3A_389 : memref<1x32x768xf32, #tpu.memory_space<vmem>> -> memref<32x768xf32, #tpu.memory_space<vmem>>
      %dma_start3A_391 = arith.constant 0 : i32
      %dma_start3A_392 = tpu.memref_slice %arg5[%div3A_381, %add3A_386, %dma_start3A_391] : memref<77x1024x768xf32, #tpu.memory_space<hbm>> -> memref<1x32x768xf32, #tpu.memory_space<hbm>>
      %dma_start3A_393 = tpu.memref_squeeze %dma_start3A_392 : memref<1x32x768xf32, #tpu.memory_space<hbm>> -> memref<32x768xf32, #tpu.memory_space<hbm>>
      %dma_start3A_394 = tpu.memref_slice %arg11[%rem3A_131] : memref<4x!tpu.dma_semaphore, #tpu.memory_space<semaphore_mem>> -> memref<1x!tpu.dma_semaphore, #tpu.memory_space<semaphore_mem>>
      %dma_start3A_395 = tpu.memref_squeeze %dma_start3A_394 : memref<1x!tpu.dma_semaphore, #tpu.memory_space<semaphore_mem>> -> memref<!tpu.dma_semaphore, #tpu.memory_space<semaphore_mem>>
      %dma_start3A_396 = arith.constant 0 : i32
      %dma_start3A_397 = tpu.memref_slice %arg5[%div3A_381, %add3A_386, %dma_start3A_396] : memref<77x1024x768xf32, #tpu.memory_space<hbm>> -> memref<1x32x768xf32, #tpu.memory_space<hbm>>
      %dma_start3A_398 = tpu.memref_squeeze %dma_start3A_397 : memref<1x32x768xf32, #tpu.memory_space<hbm>> -> memref<32x768xf32, #tpu.memory_space<hbm>>
      %dma_start3A_399 = arith.constant 0 : i32
      %dma_start3A_400 = arith.constant 0 : i32
      %dma_start3A_401 = tpu.memref_slice %arg8[%rem3A_131, %dma_start3A_399, %dma_start3A_400] : memref<4x32x768xf32, #tpu.memory_space<vmem>> -> memref<1x32x768xf32, #tpu.memory_space<vmem>>
      %dma_start3A_402 = tpu.memref_squeeze %dma_start3A_401 : memref<1x32x768xf32, #tpu.memory_space<vmem>> -> memref<32x768xf32, #tpu.memory_space<vmem>>
      tpu.enqueue_dma source(%dma_start3A_402 : memref<32x768xf32, #tpu.memory_space<vmem>>) target(%dma_start3A_398 : memref<32x768xf32, #tpu.memory_space<hbm>>) target_semaphore(%dma_start3A_395 : memref<!tpu.dma_semaphore, #tpu.memory_space<semaphore_mem>>)
    }
    %scan3A_70 = arith.constant 77 : i32
    %rem3A = arith.constant 75 : i32
    %rem3A_71 = arith.constant 4 : i32
    %rem3A_72 = arith.remsi %rem3A, %rem3A_71 : i32
    %div3A_73 = arith.constant 75 : i32
    %div3A_74 = arith.constant 1 : i32
    %div3A_75 = arith.divsi %div3A_73, %div3A_74 : i32
    %rem3A_76 = arith.constant 75 : i32
    %rem3A_77 = arith.constant 1 : i32
    %rem3A_78 = arith.remsi %rem3A_76, %rem3A_77 : i32
    %mul3A_79 = arith.constant 32 : i32
    %mul3A_80 = arith.muli %rem3A_78, %mul3A_79 : i32
    %add3A_81 = arith.addi %mul3A_2, %mul3A_80 : i32
    %dma_wait3A = arith.constant 0 : i32
    %dma_wait3A_82 = arith.constant 0 : i32
    %dma_wait3A_83 = tpu.memref_slice %arg8[%rem3A_72, %dma_wait3A, %dma_wait3A_82] : memref<4x32x768xf32, #tpu.memory_space<vmem>> -> memref<1x32x768xf32, #tpu.memory_space<vmem>>
    %dma_wait3A_84 = tpu.memref_squeeze %dma_wait3A_83 : memref<1x32x768xf32, #tpu.memory_space<vmem>> -> memref<32x768xf32, #tpu.memory_space<vmem>>
    %dma_wait3A_85 = arith.constant 0 : i32
    %dma_wait3A_86 = tpu.memref_slice %arg5[%div3A_75, %add3A_81, %dma_wait3A_85] : memref<77x1024x768xf32, #tpu.memory_space<hbm>> -> memref<1x32x768xf32, #tpu.memory_space<hbm>>
    %dma_wait3A_87 = tpu.memref_squeeze %dma_wait3A_86 : memref<1x32x768xf32, #tpu.memory_space<hbm>> -> memref<32x768xf32, #tpu.memory_space<hbm>>
    %dma_wait3A_88 = tpu.memref_slice %arg11[%rem3A_72] : memref<4x!tpu.dma_semaphore, #tpu.memory_space<semaphore_mem>> -> memref<1x!tpu.dma_semaphore, #tpu.memory_space<semaphore_mem>>
    %dma_wait3A_89 = tpu.memref_squeeze %dma_wait3A_88 : memref<1x!tpu.dma_semaphore, #tpu.memory_space<semaphore_mem>> -> memref<!tpu.dma_semaphore, #tpu.memory_space<semaphore_mem>>
    %dma_wait3A_90 = arith.constant 0 : i32
    %dma_wait3A_91 = tpu.memref_slice %arg5[%div3A_75, %add3A_81, %dma_wait3A_90] : memref<77x1024x768xf32, #tpu.memory_space<hbm>> -> memref<1x32x768xf32, #tpu.memory_space<hbm>>
    %dma_wait3A_92 = tpu.memref_squeeze %dma_wait3A_91 : memref<1x32x768xf32, #tpu.memory_space<hbm>> -> memref<32x768xf32, #tpu.memory_space<hbm>>
    %dma_wait3A_93 = arith.constant 0 : i32
    %dma_wait3A_94 = arith.constant 0 : i32
    %dma_wait3A_95 = tpu.memref_slice %arg8[%rem3A_72, %dma_wait3A_93, %dma_wait3A_94] : memref<4x32x768xf32, #tpu.memory_space<vmem>> -> memref<1x32x768xf32, #tpu.memory_space<vmem>>
    %dma_wait3A_96 = tpu.memref_squeeze %dma_wait3A_95 : memref<1x32x768xf32, #tpu.memory_space<vmem>> -> memref<32x768xf32, #tpu.memory_space<vmem>>
    tpu.wait_dma2 semaphore(%dma_wait3A_89 : memref<!tpu.dma_semaphore, #tpu.memory_space<semaphore_mem>>) src(%dma_wait3A_96 : memref<32x768xf32, #tpu.memory_space<vmem>>) dst(%dma_wait3A_92 : memref<32x768xf32, #tpu.memory_space<hbm>>)
    %rem3A_97 = arith.constant 76 : i32
    %rem3A_98 = arith.constant 4 : i32
    %rem3A_99 = arith.remsi %rem3A_97, %rem3A_98 : i32
    %div3A_100 = arith.constant 76 : i32
    %div3A_101 = arith.constant 1 : i32
    %div3A_102 = arith.divsi %div3A_100, %div3A_101 : i32
    %rem3A_103 = arith.constant 76 : i32
    %rem3A_104 = arith.constant 1 : i32
    %rem3A_105 = arith.remsi %rem3A_103, %rem3A_104 : i32
    %mul3A_106 = arith.constant 32 : i32
    %mul3A_107 = arith.muli %rem3A_105, %mul3A_106 : i32
    %add3A_108 = arith.addi %mul3A_2, %mul3A_107 : i32
    %dma_wait3A_109 = arith.constant 0 : i32
    %dma_wait3A_110 = arith.constant 0 : i32
    %dma_wait3A_111 = tpu.memref_slice %arg8[%rem3A_99, %dma_wait3A_109, %dma_wait3A_110] : memref<4x32x768xf32, #tpu.memory_space<vmem>> -> memref<1x32x768xf32, #tpu.memory_space<vmem>>
    %dma_wait3A_112 = tpu.memref_squeeze %dma_wait3A_111 : memref<1x32x768xf32, #tpu.memory_space<vmem>> -> memref<32x768xf32, #tpu.memory_space<vmem>>
    %dma_wait3A_113 = arith.constant 0 : i32
    %dma_wait3A_114 = tpu.memref_slice %arg5[%div3A_102, %add3A_108, %dma_wait3A_113] : memref<77x1024x768xf32, #tpu.memory_space<hbm>> -> memref<1x32x768xf32, #tpu.memory_space<hbm>>
    %dma_wait3A_115 = tpu.memref_squeeze %dma_wait3A_114 : memref<1x32x768xf32, #tpu.memory_space<hbm>> -> memref<32x768xf32, #tpu.memory_space<hbm>>
    %dma_wait3A_116 = tpu.memref_slice %arg11[%rem3A_99] : memref<4x!tpu.dma_semaphore, #tpu.memory_space<semaphore_mem>> -> memref<1x!tpu.dma_semaphore, #tpu.memory_space<semaphore_mem>>
    %dma_wait3A_117 = tpu.memref_squeeze %dma_wait3A_116 : memref<1x!tpu.dma_semaphore, #tpu.memory_space<semaphore_mem>> -> memref<!tpu.dma_semaphore, #tpu.memory_space<semaphore_mem>>
    %dma_wait3A_118 = arith.constant 0 : i32
    %dma_wait3A_119 = tpu.memref_slice %arg5[%div3A_102, %add3A_108, %dma_wait3A_118] : memref<77x1024x768xf32, #tpu.memory_space<hbm>> -> memref<1x32x768xf32, #tpu.memory_space<hbm>>
    %dma_wait3A_120 = tpu.memref_squeeze %dma_wait3A_119 : memref<1x32x768xf32, #tpu.memory_space<hbm>> -> memref<32x768xf32, #tpu.memory_space<hbm>>
    %dma_wait3A_121 = arith.constant 0 : i32
    %dma_wait3A_122 = arith.constant 0 : i32
    %dma_wait3A_123 = tpu.memref_slice %arg8[%rem3A_99, %dma_wait3A_121, %dma_wait3A_122] : memref<4x32x768xf32, #tpu.memory_space<vmem>> -> memref<1x32x768xf32, #tpu.memory_space<vmem>>
    %dma_wait3A_124 = tpu.memref_squeeze %dma_wait3A_123 : memref<1x32x768xf32, #tpu.memory_space<vmem>> -> memref<32x768xf32, #tpu.memory_space<vmem>>
    tpu.wait_dma2 semaphore(%dma_wait3A_117 : memref<!tpu.dma_semaphore, #tpu.memory_space<semaphore_mem>>) src(%dma_wait3A_124 : memref<32x768xf32, #tpu.memory_space<vmem>>) dst(%dma_wait3A_120 : memref<32x768xf32, #tpu.memory_space<hbm>>)
    return
  }
}

</mosaic_0001>

<sc_bundles>
// kernel: kernel.3.cloned.1.call-start
scs
__scs_entry_jumppad:
0x0: {  	(pc) =	sbr.rel $0x88, $3  }
0x1: {  	(tag) =	ssettag $0x0;
	lr =	simm.s32 $0x1  }
0x2: {  	[smem:$0x3F9E] =	sst lr;
	_ =	strace $0xD0000000  }
0x3: {  	_ = 	snop  }
0x4: {  	_ = 	snop  }
0x5: {  	_ = 	snop  }
0x6: {  	_ = 	snop  }
0x7: {  	_ = 	snop  }
__scs_overlays_trampoline_lowered:
0x8: {  	[smem:$0x3FAD] =	sst s0  }
0x9: {  	[smem:$0x3FAE] =	sst s1  }
0xa: {  	[smem:$0x3FAF] =	sst s2  }
0xb: {  	[smem:$0x3FB0] =	sst s3  }
0xc: {  	[smem:$0x3FB1] =	sst s4  }
0xd: {  	[smem:$0x3FB2] =	sst s5  }
0xe: {  	[smem:$0x3FB3] =	sst s6  }
0xf: {  	[smem:$0x3FB4] =	sst s7  }
0x10: {  	[smem:$0x3FB5] =	sst s8  }
0x11: {  	[smem:$0x3FB6] =	sst s9;
	s0 =	simm.s32 @!p0 $0x0  }
0x12: {  	s1 =	sld [smem:$0x3F9C];
	s0 =	simm.s32 @p0 $0x1  }
0x13: {  	[smem:$0x3FB7] =	sst s0;
	s0 =	simm.s32 @!p1 $0x0  }
0x14: {  	s2 =	sld [smem:$0x3F9B];
	s0 =	simm.s32 @p1 $0x1  }
0x15: {  	[smem:$0x3FB8] =	sst s0;
	s0 =	simm.s32 @!p2 $0x0  }
0x16: {  	s3 =	sld [smem:$0x3FDB];
	s0 =	simm.s32 @p2 $0x1  }
0x17: {  	s4 =	simm.s32 $0x1BF5;
	[smem:$0x3FBA] =	sst s0  }
0x18: {  	s0 =	sld [smem:$0x3F9D];
	_ =	swait.ge [sflag:s4], $0x0  }
0x19: {  	s7 =	sld [smem:$0x3F9E]  }
0x1a: {  	s8 =	sadd.s32 $0xFFFFE003, lr  }
0x1b: {  	s9 =	sadd.s32 $0xFFFFFEF7, lr;
	s5 =	simm.s32 $0xFFFFFFFF;
	p2 =	slt.u32 s8, $0xFFFFF086  }
0x1c: {  	p1 =	slt.u32 s9, $0xF7A;
	s5 =	simm.s32 @!p2 $0x0  }
0x1d: {  	s5 =	simm.s32 @p1 $0x1;
	p0 =	seq.s32 s7, s2  }
0x1e: {  	s7 =	smul.u32 @!p0 $0xF7A, s2;
	p2 =	seq.s32 @!p0 s5, $0x0  }
0x1f: {  	s9 =	smul.u32 $0xF7A, s1;
	s8 =	simm.s32 @!p0 $0x1BF5;
	p2 =	por !p2, p0  }
0x20: {  	[sflag:s8] =	ssyncset.s32 @!p0 $0xFFFFF086;
	s6 =	sadd.s32 @!p0 s3, s7;
	s7 =	simm.s32 @!p0 $0x108  }
0x21: {  	s3 =	sadd.s32 s3, s9;
	s6 =	sadd.s32 @!p0 $0x88, s6;
	s7 =	simm.s32 @p2 $0x1082  }
0x22: {  	[simem:s7], [sflag:s8] =	dma.local @!p0 [hbm:s6], $0xF7A  }
0x23: {  	s9 =	sor.u32 $0xD0000000, s2;
	s6 =	simm.s32 $0x108;
	_ =	swait.ge @!p0 [sflag:s8], $0x0  }
0x24: {  	s3 =	sadd.s32 $0x88, s3;
	s6 =	simm.s32 @!p1 $0x1082;
	[sflag:s4] =	ssyncset.s32 $0xFFFFF086  }
0x25: {  	[simem:s6], [sflag:s4] =	dma.local [hbm:s3], $0xF7A  }
0x26: {  	[smem:$0x3F9E] =	sst s1;
	(tag) =	ssettag s2;
	_ =	strace s9  }
0x27: {  	s1 =	sld [smem:$0x3FAE]  }
0x28: {  	s2 =	sld [smem:$0x3FAF]  }
0x29: {  	s4 =	sld [smem:$0x3FB1]  }
0x2a: {  	p0 =	seq.s32 s5, $0x0;
	s5 =	sld [smem:$0x3FB2]  }
0x2b: {  	s6 =	sld [smem:$0x3FB3]  }
0x2c: {  	s7 =	sld [smem:$0x3FB4]  }
0x2d: {  	s3 =	simm.s32 $0x108;
	s8 =	sld [smem:$0x3FB5]  }
0x2e: {  	s3 =	simm.s32 @!p0 $0x1082;
	s9 =	sld [smem:$0x3FB6]  }
0x2f: {  	lr =	sadd.s32 s0, s3;
	s0 =	sld [smem:$0x3FAD]  }
0x30: {  	s3 =	sld [smem:$0x3FB0]  }
0x31: {  	[smem:$0x3FB9] =	sst s10  }
0x32: {  	s10 =	sld [smem:$0x3FB7];
	_ =	sdelay $0x3  }
0x33: {  	p0 =	seq.s32 s10, $0x1;
	s10 =	sld [smem:$0x3FB9];
	_ =	sdelay $0x3  }
0x34: {  	[smem:$0x3FB9] =	sst s10  }
0x35: {  	s10 =	sld [smem:$0x3FB8];
	_ =	sdelay $0x3  }
0x36: {  	p1 =	seq.s32 s10, $0x1;
	s10 =	sld [smem:$0x3FB9];
	_ =	sdelay $0x3  }
0x37: {  	[smem:$0x3FB9] =	sst s10  }
0x38: {  	s10 =	sld [smem:$0x3FBA]  }
0x39: {  	_ = 	snop;
	(pc) =	sbr.ind lr, $3  }
0x3a: {  	_ = 	snop  }
0x3b: {  	_ = 	snop  }
0x3c: {  	p2 =	seq.s32 s10, $0x1;
	s10 =	sld [smem:$0x3FB9]  }
0x3d: {  	_ =	shalt  }
0x3e: {  	_ =	shalt  }
0x3f: {  	_ =	shalt  }
0x40: {  	_ =	shalt  }
0x41: {  	_ =	shalt  }
0x42: {  	_ =	shalt  }
0x43: {  	_ =	shalt  }
0x44: {  	_ =	shalt  }
0x45: {  	_ =	shalt  }
0x46: {  	_ =	shalt  }
0x47: {  	_ =	shalt  }
0x48: {  	_ =	shalt  }
0x49: {  	_ =	shalt  }
0x4a: {  	_ =	shalt  }
0x4b: {  	_ =	shalt  }
0x4c: {  	_ =	shalt  }
0x4d: {  	_ =	shalt  }
0x4e: {  	_ =	shalt  }
0x4f: {  	_ =	shalt  }
0x50: {  	_ =	shalt  }
0x51: {  	_ =	shalt  }
0x52: {  	_ =	shalt  }
0x53: {  	_ =	shalt  }
0x54: {  	_ =	shalt  }
0x55: {  	_ =	shalt  }
0x56: {  	_ =	shalt  }
0x57: {  	_ =	shalt  }
0x58: {  	_ =	shalt  }
0x59: {  	_ =	shalt  }
0x5a: {  	_ =	shalt  }
0x5b: {  	_ =	shalt  }
0x5c: {  	_ =	shalt  }
0x5d: {  	_ =	shalt  }
0x5e: {  	_ =	shalt  }
0x5f: {  	_ =	shalt  }
0x60: {  	_ =	shalt  }
0x61: {  	_ =	shalt  }
0x62: {  	_ =	shalt  }
0x63: {  	_ =	shalt  }
0x64: {  	_ =	shalt  }
0x65: {  	_ =	shalt  }
0x66: {  	_ =	shalt  }
0x67: {  	_ =	shalt  }
0x68: {  	_ =	shalt  }
0x69: {  	_ =	shalt  }
0x6a: {  	_ =	shalt  }
0x6b: {  	_ =	shalt  }
0x6c: {  	_ =	shalt  }
0x6d: {  	_ =	shalt  }
0x6e: {  	_ =	shalt  }
0x6f: {  	_ =	shalt  }
0x70: {  	_ =	shalt  }
0x71: {  	_ =	shalt  }
0x72: {  	_ =	shalt  }
0x73: {  	_ =	shalt  }
0x74: {  	_ =	shalt  }
0x75: {  	_ =	shalt  }
0x76: {  	_ =	shalt  }
0x77: {  	_ =	shalt  }
0x78: {  	_ =	shalt  }
0x79: {  	_ =	shalt  }
0x7a: {  	_ =	shalt  }
0x7b: {  	_ =	shalt  }
0x7c: {  	_ =	shalt  }
0x7d: {  	_ =	shalt  }
0x7e: {  	_ =	shalt  }
0x7f: {  	_ =	shalt  }
0x80: {  	_ =	shalt  }
0x81: {  	_ =	shalt  }
0x82: {  	_ =	shalt  }
0x83: {  	_ =	shalt  }
0x84: {  	_ =	shalt  }
0x85: {  	_ =	shalt  }
0x86: {  	_ =	shalt  }
0x87: {  	_ =	shalt  }
.Lfunc_end0:
.L_simem_size_0:
called_computation_lowered:
.L_overlay_start_0:
0x88: {  	s2 =	sld [smem:$0x3FD9]  }
0x89: {  	s3 =	sld [smem:$0x3FFE];
	_ =	sdelay $0x1  }
0x8a: {  	s1 =	srdreg.scid  }
0x8b: {  	s0 =	sand.u32 $0x1, s1  }
0x8c: {  	s17 =	sshll.u32 s0, $0xA;
	s2 =	sadd.s32 s3, s2  }
0x8d: {  	s2 =	sadd.s32 s2, s17  }
0x8e: {  	[smem:$0x3FC5] =	sst s2  }
0x8f: {  	_ = 	snop  }
0x90: {  	s2 =	sld [smem:$0x3FC8]  }
0x91: {  	s18 =	sld [smem:$0x3FC7]  }
0x92: {  	s4 =	sld [smem:$0x3FD0];
	(tm) =	ssettm $0x1  }
0x93: {  	s5 =	sld [smem:$0x3FFB];
	_ =	sdelay $0x3  }
0x94: {  	_ =	strace s5  }
0x95: {  	s5 =	sld [smem:$0x3FFC];
	_ =	sdelay $0x3  }
0x96: {  	_ =	strace s5  }
0x97: {  	s5 =	sld [smem:$0x3FFD];
	_ =	sdelay $0x3  }
0x98: {  	_ =	strace s5  }
0x99: {  	_ =	strace $0x8FFFFFFF  }
0x9a: {  	s19 =	sld [smem:$0x3FDB];
	_ =	sdelay $0x1  }
0x9b: {  	s6 =	simm.s32 $_scs_section_size  }
0x9c: {  	s7 =	simm.s32 $_size__tile_overlayer_lowered;
	s8 =	simm.s32 $_tile_overlayer_lowered  }
0x9d: {  	s22 =	simm.s32 $0x1BFF;
	s21 =	sshll.u32 s8, $0x1;
	s5 =	sadd.s32 s6, s19  }
0x9e: {  	s9 =	simm.s32 $0x0;
	s20 =	sshll.u32 s7, $0x1;
	s7 =	sadd.s32 s21, s5  }
0x9f: {  	[timem:s9], [sflag:s22] =	dma.local [hbm:s7], s20  }
0xa0: {  	_ =	swait.ge [sflag:s22], s20  }
0xa1: {  	s6 =	ssub.s32 $0x0, s20;
	[sflag:s22] =	ssyncset.done $0x0  }
0xa2: {  	[sflag:s22] =	ssyncadd.s32 s6;
	_ =	sdelay $0x1  }
0xa3: {  	s23 =	simm.s32 $0x1B8B  }
0xa4: {  	_ =	swait.ge [sflag:s23], $0x1  }
0xa5: {  	[sflag:s23] =	ssyncset.done $0x0  }
0xa6: {  	s25 =	simm.s32 $0x1B8E;
	s24 =	sld [smem:$0x3FFE];
	[sflag:s23] =	ssyncadd.s32 $0xFFFFFFFF  }
0xa7: {  	s26 =	simm.s32 $execute0_lowered;
	[smem:$0x3FD2] =	sst s25  }
0xa8: {  	s7 =	sshll.u32 s26, $0x1;
	_ =	strace $0x80000046;
	[dreg:$0x1] =	wrdreg $0xFFFFFFFF  }
0xa9: {  	s28 =	simm.s32 $_size_execute0_lowered;
	s5 =	sadd.s32 s5, s7;
	[dreg:$0x0] =	wrdreg $0x0  }
0xaa: {  	s7 =	sshll.u32 s28, $0x1;
	[dreg:$0x2] =	wrdreg s5  }
0xab: {  	[dreg:$0x3] =	wrdreg s7  }
0xac: {  	[dreg:$0x4] =	wrdreg $0xC0  }
0xad: {  	_ =	task [dreg:s9], $0x5FFFF  }
0xae: {  	[dreg:$0x1] =	wrdreg $0xFFFFFFFF  }
0xaf: {  	[dreg:$0x0] =	wrdreg $0x60  }
0xb0: {  	[dreg:$0x2] =	wrdreg s24  }
0xb1: {  	[dreg:$0x3] =	wrdreg s2  }
0xb2: {  	[dreg:$0x4] =	wrdreg s18  }
0xb3: {  	[dreg:$0x5] =	wrdreg s4  }
0xb4: {  	[dreg:$0x6] =	wrdreg $0x9  }
0xb5: {  	_ =	task.clear_ibuf [dreg:s9], $0x7FFFF;
	_ =	strace $0x90000046  }
0xb6: {  	s29 =	simm.s32 $0x9;
	_ =	strace $0x80000048  }
0xb7: {  	_ =	swait.ge [sflag:s29], $0x1  }
0xb8: {  	[sflag:s29] =	ssyncadd.s32 $0xFFFFFFFF  }
0xb9: {  	_ =	strace $0x90000048  }
0xba: {  	_ =	sfence  }
0xbb: {  	s30 =	sld [smem:$0x0];
	_ =	sdelay $0x2  }
0xbc: {  	s31 =	sshll.u32 s1, $0xD;
	s1 =	sshrl.u32 s1, $0x2  }
0xbd: {  	s3 =	sand.u32 $0x4000, s31;
	s1 =	sadd.s32 s1, s30  }
0xbe: {  	s0 =	sor.u32 s3, s0;
	s1 =	sshll.u32 s1, $0x11  }
0xbf: {  	s0 =	sor.u32 s1, s0  }
0xc0: {  	s0 =	sadd.s32 $0x8F2B, s0  }
0xc1: {  	[sflag:s0] =	ssyncadd.remote.s32 $0x1  }
0xc2: {  	_ =	sfence.sel $0xFFFF  }
0xc3: {  	[dreg:$0x0] =	wrdreg $0xFFFFFFFF;
	(pc) =	sbr.abs _section_cstart, $3  }
0xc4: {  	[dreg:$0x1] =	wrdreg $0xFFFFFFFF  }
0xc5: {  	_ =	task.clear_ibuf [dreg:s9], $0x2FFFF;
	_ =	strace $0x9FFFFFFF  }
0xc6: {  	(tm) =	ssettm $0x7FFFFFFF  }
0xc7: {  	_ =	shalt  }
tec
execute0_lowered:
.L_overlay_start_1:
0x0: {  	(tag) =	ssettag $0x1  }
0x1: {  	s0 =	rddreg [dreg:$0x0]  }
0x2: {  	s1 =	rddreg [dreg:$0x1]  }
0x3: {  	s3 =	rddreg [dreg:$0x2];
	s2 =	srdreg.scid  }
0x4: {  	s5 =	stileid.u32;
	s4 =	rddreg [dreg:$0x3]  }
0x5: {  	s17 =	simm.s32 $0xD;
	s23 =	simm.s32 $0x1480;
	s24 =	simm.s32 $0xC  }
0x6: {  	s25 =	simm.s32 $0x9;
	s26 =	simm.s32 $0x0;
	s2 =	sand.u32 $0x1, s2  }
0x7: {  	s5 =	sshll.u32 s5, $0x1;
	s8 =	sadd.s32 $0x200, s1;
	s9 =	sadd.s32 $0x10, s3  }
0x8: {  	s12 =	sadd.s32 $0x80, s3;
	s13 =	sadd.s32 $0x100, s3;
	s14 =	sadd.s32 $0x180, s3  }
0x9: {  	s15 =	sadd.s32 $0x200, s3;
	s16 =	sadd.s32 $0x280, s3;
	s10 =	sor.u32 s2, s5  }
0xa: {  	s5 =	simm.s32 $0x0;
	s2 =	ssub.s32 $0x2, s2;
	s6 =	smul.u32 $0x134, s10  }
0xb: {  	v2 =	vlaneseq.u32;
	[smem:$0x7FF] =	sst s5;
	s7 =	sshrl.u32 s2, $0x1;
	s10 =	smul.u32 $0x6000, s10  }
0xc: {  	vm0 =	vmmov $0xffff;
	v1 =	vshrl.u32 v2, $0x3;
	_ =	strace $0x80000047;
	s2 =	ssub.s32 s2, s7;
	s0 =	sadd.s32 s6, s0  }
0xd: {  	v0 =	vand.u32 $0x7, v2;
	v2 =	vor.u32 $0x8, v2;
	v1 =	vmul.u32 $0x8, v1;
	s7 =	sadd.s32 $0x100, s1;
	s11 =	smax.u32 s2, $0x1;
	s6 =	sadd.s32 $0x400, s0  }
.LBB2_1:
0xe: {  	[tilespmem:s5], [sflag:$0xD] =	stream.linear.gather [hbm4b:s6+s5], $0x9A0, $0x38;
	[tilespmem:$0x19600] =	vst v63  }
0xf: {  	_ =	swait.ge [sflag:s17], $0x9A0  }
0x10: {  	[sflag:s17] =	ssyncset.done $0x0  }
0x11: {  	[sflag:s17] =	ssyncadd.s32 $0xFFFFF660  }
0x12: {  	v3 =	vld [tilespmem:$0x0];
	_ =	sdelay $0x4  }
0x13: {  	v4 =	vshrl.u32 v3, $0x3  }
0x14: {  	v4 =	vmul.u32 $0x30, v4  }
0x15: {  	v3 =	vand.u32 $0x7, v3  }
0x16: {  	v3 =	vor.u32 v3, v4  }
0x17: {  	v4 =	vperm.xlane v3, v0;
	_ =	sdelay $0x1  }
0x18: {  	v4 =	vadd.s32 v1, v4;
	_ =	sdelay $0x3  }
0x19: {  	s0 =	simm.s32 $0x1600;
	v3 =	vperm.xlane v3, v2  }
0x1a: {  	[tilespmem:s0], [sflag:$0x1] =	stream.indirect_vreg.gather [hbm4b:s1+s5], $0x80, v4, vm0, $0xb8;
	[tilespmem:$0x19600] =	vst v63  }
0x1b: {  	s30 =	simm.s32 $0x1E00;
	v3 =	vadd.s32 v1, v3  }
0x1c: {  	[tilespmem:s30], [sflag:$0x1] =	stream.indirect_vreg.gather [hbm4b:s7+s5], $0x80, v4, vm0, $0xb8;
	[tilespmem:$0x19600] =	vst v63  }
0x1d: {  	s31 =	simm.s32 $0x2600  }
0x1e: {  	[tilespmem:s31], [sflag:$0x1] =	stream.indirect_vreg.gather [hbm4b:s8+s5], $0x80, v4, vm0, $0xb8;
	[tilespmem:$0x19600] =	vst v63  }
0x1f: {  	s2 =	simm.s32 $0x2E00  }
0x20: {  	[tilespmem:s2], [sflag:$0x1] =	stream.indirect_vreg.gather [hbm4b:s1+s5], $0x80, v3, vm0, $0xb8;
	[tilespmem:$0x19600] =	vst v63  }
0x21: {  	s18 =	simm.s32 $0x3600  }
0x22: {  	[tilespmem:s18], [sflag:$0x1] =	stream.indirect_vreg.gather [hbm4b:s7+s5], $0x80, v3, vm0, $0xb8;
	[tilespmem:$0x19600] =	vst v63  }
0x23: {  	s19 =	simm.s32 $0x3E00  }
0x24: {  	[tilespmem:s19], [sflag:$0x1] =	stream.indirect_vreg.gather [hbm4b:s8+s5], $0x80, v3, vm0, $0xb8;
	[tilespmem:$0x19600] =	vst v63  }
0x25: {  	v3 =	vld [tilespmem:$0x10];
	_ =	sdelay $0x4  }
0x26: {  	v61 =	vshrl.u32 v3, $0x3  }
0x27: {  	v4 =	vmul.u32 $0x30, v61  }
0x28: {  	v3 =	vand.u32 $0x7, v3  }
0x29: {  	v3 =	vor.u32 v3, v4  }
0x2a: {  	v4 =	vperm.xlane v3, v0;
	_ =	sdelay $0x1  }
0x2b: {  	v4 =	vadd.s32 v1, v4;
	_ =	sdelay $0x3  }
0x2c: {  	s20 =	simm.s32 $0x4600;
	v3 =	vperm.xlane v3, v2  }
0x2d: {  	[tilespmem:s20], [sflag:$0x1] =	stream.indirect_vreg.gather [hbm4b:s1+s5], $0x80, v4, vm0, $0xb8;
	[tilespmem:$0x19600] =	vst v63  }
0x2e: {  	s21 =	simm.s32 $0x4E00;
	v3 =	vadd.s32 v1, v3  }
0x2f: {  	[tilespmem:s21], [sflag:$0x1] =	stream.indirect_vreg.gather [hbm4b:s7+s5], $0x80, v4, vm0, $0xb8;
	[tilespmem:$0x19600] =	vst v63  }
0x30: {  	s22 =	simm.s32 $0x5600  }
0x31: {  	[tilespmem:s22], [sflag:$0x1] =	stream.indirect_vreg.gather [hbm4b:s8+s5], $0x80, v4, vm0, $0xb8;
	[tilespmem:$0x19600] =	vst v63  }
0x32: {  	s29 =	simm.s32 $0x5E00  }
0x33: {  	[tilespmem:s29], [sflag:$0x1] =	stream.indirect_vreg.gather [hbm4b:s1+s5], $0x80, v3, vm0, $0xb8;
	[tilespmem:$0x19600] =	vst v63  }
0x34: {  	s30 =	simm.s32 $0x6600  }
0x35: {  	[tilespmem:s30], [sflag:$0x1] =	stream.indirect_vreg.gather [hbm4b:s7+s5], $0x80, v3, vm0, $0xb8;
	[tilespmem:$0x19600] =	vst v63  }
0x36: {  	s31 =	simm.s32 $0x6E00  }
0x37: {  	[tilespmem:s31], [sflag:$0x1] =	stream.indirect_vreg.gather [hbm4b:s8+s5], $0x80, v3, vm0, $0xb8;
	[tilespmem:$0x19600] =	vst v63  }
0x38: {  	s2 =	simm.s32 $0xA00  }
0x39: {  	[tilespmem:s2], [sflag:$0x5] =	stream.linear.gather [hbm4b:s3+s5], $0x80, $0x38;
	[tilespmem:$0x19600] =	vst v63  }
0x3a: {  	s18 =	simm.s32 $0xC00  }
0x3b: {  	[tilespmem:s18], [sflag:$0x5] =	stream.linear.gather [hbm4b:s12+s5], $0x80, $0x38;
	[tilespmem:$0x19600] =	vst v63  }
0x3c: {  	s19 =	simm.s32 $0xE00  }
0x3d: {  	[tilespmem:s19], [sflag:$0x5] =	stream.linear.gather [hbm4b:s13+s5], $0x80, $0x38;
	[tilespmem:$0x19600] =	vst v63  }
0x3e: {  	s20 =	simm.s32 $0x1000  }
0x3f: {  	[tilespmem:s20], [sflag:$0x5] =	stream.linear.gather [hbm4b:s14+s5], $0x80, $0x38;
	[tilespmem:$0x19600] =	vst v63  }
0x40: {  	s21 =	simm.s32 $0x1200  }
0x41: {  	[tilespmem:s21], [sflag:$0x5] =	stream.linear.gather [hbm4b:s15+s5], $0x80, $0x38;
	[tilespmem:$0x19600] =	vst v63  }
0x42: {  	s22 =	simm.s32 $0x1400  }
0x43: {  	[tilespmem:s22], [sflag:$0x5] =	stream.linear.gather [hbm4b:s16+s5], $0x80, $0x38;
	[tilespmem:$0x19600] =	vst v63  }
0x44: {  	v3 =	vld [tilespmem:$0x20];
	_ =	sdelay $0x4  }
0x45: {  	v62 =	vshrl.u32 v3, $0x3  }
0x46: {  	v4 =	vmul.u32 $0x30, v62  }
0x47: {  	v3 =	vand.u32 $0x7, v3  }
0x48: {  	v3 =	vor.u32 v3, v4  }
0x49: {  	v4 =	vperm.xlane v3, v0;
	_ =	sdelay $0x1  }
0x4a: {  	v4 =	vadd.s32 v1, v4;
	_ =	sdelay $0x3  }
0x4b: {  	s29 =	simm.s32 $0x7600;
	v3 =	vperm.xlane v3, v2  }
0x4c: {  	[tilespmem:s29], [sflag:$0x2] =	stream.indirect_vreg.gather [hbm4b:s1+s5], $0x80, v4, vm0, $0xb8;
	[tilespmem:$0x19600] =	vst v63  }
0x4d: {  	s30 =	simm.s32 $0x7E00;
	v3 =	vadd.s32 v1, v3  }
0x4e: {  	[tilespmem:s30], [sflag:$0x2] =	stream.indirect_vreg.gather [hbm4b:s7+s5], $0x80, v4, vm0, $0xb8;
	[tilespmem:$0x19600] =	vst v63  }
0x4f: {  	s31 =	simm.s32 $0x8600  }
0x50: {  	[tilespmem:s31], [sflag:$0x2] =	stream.indirect_vreg.gather [hbm4b:s8+s5], $0x80, v4, vm0, $0xb8;
	[tilespmem:$0x19600] =	vst v63  }
0x51: {  	s2 =	simm.s32 $0x8E00  }
0x52: {  	[tilespmem:s2], [sflag:$0x2] =	stream.indirect_vreg.gather [hbm4b:s1+s5], $0x80, v3, vm0, $0xb8;
	[tilespmem:$0x19600] =	vst v63  }
0x53: {  	s18 =	simm.s32 $0x9600  }
0x54: {  	[tilespmem:s18], [sflag:$0x2] =	stream.indirect_vreg.gather [hbm4b:s7+s5], $0x80, v3, vm0, $0xb8;
	[tilespmem:$0x19600] =	vst v63  }
0x55: {  	s19 =	simm.s32 $0x9E00  }
0x56: {  	[tilespmem:s19], [sflag:$0x2] =	stream.indirect_vreg.gather [hbm4b:s8+s5], $0x80, v3, vm0, $0xb8;
	[tilespmem:$0x19600] =	vst v63  }
0x57: {  	v3 =	vld [tilespmem:$0x30];
	_ =	sdelay $0x4  }
0x58: {  	v63 =	vshrl.u32 v3, $0x3  }
0x59: {  	v4 =	vmul.u32 $0x30, v63  }
0x5a: {  	v3 =	vand.u32 $0x7, v3  }
0x5b: {  	v3 =	vor.u32 v3, v4  }
0x5c: {  	v4 =	vperm.xlane v3, v0;
	_ =	sdelay $0x1  }
0x5d: {  	v4 =	vadd.s32 v1, v4;
	_ =	sdelay $0x3  }
0x5e: {  	s20 =	simm.s32 $0xA600;
	v3 =	vperm.xlane v3, v2  }
0x5f: {  	[tilespmem:s20], [sflag:$0x2] =	stream.indirect_vreg.gather [hbm4b:s1+s5], $0x80, v4, vm0, $0xb8;
	[tilespmem:$0x19600] =	vst v63  }
0x60: {  	s21 =	simm.s32 $0xAE00;
	v3 =	vadd.s32 v1, v3  }
0x61: {  	[tilespmem:s21], [sflag:$0x2] =	stream.indirect_vreg.gather [hbm4b:s7+s5], $0x80, v4, vm0, $0xb8;
	[tilespmem:$0x19600] =	vst v63  }
0x62: {  	s22 =	simm.s32 $0xB600  }
0x63: {  	[tilespmem:s22], [sflag:$0x2] =	stream.indirect_vreg.gather [hbm4b:s8+s5], $0x80, v4, vm0, $0xb8;
	[tilespmem:$0x19600] =	vst v63  }
0x64: {  	s29 =	simm.s32 $0xBE00  }
0x65: {  	[tilespmem:s29], [sflag:$0x2] =	stream.indirect_vreg.gather [hbm4b:s1+s5], $0x80, v3, vm0, $0xb8;
	[tilespmem:$0x19600] =	vst v63  }
0x66: {  	s30 =	simm.s32 $0xC600  }
0x67: {  	[tilespmem:s30], [sflag:$0x2] =	stream.indirect_vreg.gather [hbm4b:s7+s5], $0x80, v3, vm0, $0xb8;
	[tilespmem:$0x19600] =	vst v63  }
0x68: {  	s31 =	simm.s32 $0xCE00  }
0x69: {  	[tilespmem:s31], [sflag:$0x2] =	stream.indirect_vreg.gather [hbm4b:s8+s5], $0x80, v3, vm0, $0xb8;
	[tilespmem:$0x19600] =	vst v63  }
0x6a: {  	s2 =	simm.s32 $0xA80  }
0x6b: {  	[tilespmem:s2], [sflag:$0x6] =	stream.linear.gather [hbm4b:s9+s5], $0x80, $0x38;
	[tilespmem:$0x19600] =	vst v63  }
0x6c: {  	s18 =	sadd.s32 $0x80, s9;
	s2 =	simm.s32 $0xC80  }
0x6d: {  	[tilespmem:s2], [sflag:$0x6] =	stream.linear.gather [hbm4b:s18+s5], $0x80, $0x38;
	[tilespmem:$0x19600] =	vst v63  }
0x6e: {  	s19 =	sadd.s32 $0x100, s9;
	s20 =	simm.s32 $0xE80  }
0x6f: {  	[tilespmem:s20], [sflag:$0x6] =	stream.linear.gather [hbm4b:s19+s5], $0x80, $0x38;
	[tilespmem:$0x19600] =	vst v63  }
0x70: {  	s21 =	sadd.s32 $0x180, s9;
	s22 =	simm.s32 $0x1080  }
0x71: {  	[tilespmem:s22], [sflag:$0x6] =	stream.linear.gather [hbm4b:s21+s5], $0x80, $0x38;
	[tilespmem:$0x19600] =	vst v63  }
0x72: {  	s29 =	sadd.s32 $0x200, s9;
	s30 =	simm.s32 $0x1280  }
0x73: {  	[tilespmem:s30], [sflag:$0x6] =	stream.linear.gather [hbm4b:s29+s5], $0x80, $0x38;
	[tilespmem:$0x19600] =	vst v63  }
0x74: {  	s28 =	simm.s32 $0x0;
	s31 =	sadd.s32 $0x280, s9  }
0x75: {  	[tilespmem:s23], [sflag:$0x6] =	stream.linear.gather [hbm4b:s31+s5], $0x80, $0x38;
	[tilespmem:$0x19600] =	vst v63  }
.LBB2_2:
0x76: {  	p0 =	slt.u32 s28, $0x2  }
0x77: {  	p1 =	sgt.u32 @!p0 s28, $0x4A  }
0x78: {  	s2 =	sadd.s32 $0x2, s28;
	p1 =	por p0, !p1  }
.Ltmp0:
0x79: {  	s0 =	sand.u32 $0x3, s2;
	(pc) =	sbr.rel @!p1 .LBB2_4-.Ltmp0, $4  }
0x7a: {  	s18 =	sadd.s32 @!p0 $0x9, s0  }
0x7b: {  	_ =	swait.ge @!p0 [sflag:s18], $0x6000  }
0x7c: {  	[sflag:s18] =	ssyncset.done @!p0 $0x0  }
0x7d: {  	[sflag:s18] =	ssyncadd.s32 @!p0 $0xFFFFA000  }
0x7e: {  	s18 =	sshll.u32 s2, $0x7  }
0x7f: {  	s19 =	sshrl.u32 s18, $0x2  }
0x80: {  	v3 =	vld [tilespmem:s19+$0x0];
	_ =	sdelay $0x4  }
0x81: {  	v4 =	vshrl.u32 v3, $0x3  }
0x82: {  	v4 =	vmul.u32 $0x30, v4  }
0x83: {  	v3 =	vand.u32 $0x7, v3  }
0x84: {  	v3 =	vor.u32 v3, v4  }
0x85: {  	v4 =	vperm.xlane v3, v0;
	_ =	sdelay $0x1  }
0x86: {  	v4 =	vadd.s32 v1, v4  }
0x87: {  	s20 =	smul.u32 $0x18000, s0;
	_ =	sdelay $0x1  }
0x88: {  	s20 =	sshrl.u32 s20, $0x2  }
0x89: {  	s30 =	sadd.s32 $0x1, s0;
	s29 =	sor.u32 $0x1600, s20;
	v3 =	vperm.xlane v3, v2  }
0x8a: {  	[tilespmem:s29], [sflag:s30] =	stream.indirect_vreg.gather [hbm4b:s1+s5], $0x80, v4, vm0, $0xb8;
	[tilespmem:$0x19600] =	vst v63  }
0x8b: {  	s21 =	sor.u32 $0x1E00, s20;
	v3 =	vadd.s32 v1, v3  }
0x8c: {  	[tilespmem:s21], [sflag:s30] =	stream.indirect_vreg.gather [hbm4b:s7+s5], $0x80, v4, vm0, $0xb8;
	[tilespmem:$0x19600] =	vst v63  }
0x8d: {  	s22 =	sadd.s32 $0x2600, s20  }
0x8e: {  	[tilespmem:s22], [sflag:s30] =	stream.indirect_vreg.gather [hbm4b:s8+s5], $0x80, v4, vm0, $0xb8;
	[tilespmem:$0x19600] =	vst v63  }
0x8f: {  	s31 =	sadd.s32 $0x2E00, s20  }
0x90: {  	[tilespmem:s31], [sflag:s30] =	stream.indirect_vreg.gather [hbm4b:s1+s5], $0x80, v3, vm0, $0xb8;
	[tilespmem:$0x19600] =	vst v63  }
0x91: {  	s21 =	sadd.s32 $0x3600, s20  }
0x92: {  	[tilespmem:s21], [sflag:s30] =	stream.indirect_vreg.gather [hbm4b:s7+s5], $0x80, v3, vm0, $0xb8;
	[tilespmem:$0x19600] =	vst v63  }
0x93: {  	s22 =	sadd.s32 $0x3E00, s20  }
0x94: {  	[tilespmem:s22], [sflag:s30] =	stream.indirect_vreg.gather [hbm4b:s8+s5], $0x80, v3, vm0, $0xb8;
	[tilespmem:$0x19600] =	vst v63  }
0x95: {  	v3 =	vld [tilespmem:s19+$0x10];
	_ =	sdelay $0x4  }
0x96: {  	v63 =	vshrl.u32 v3, $0x3  }
0x97: {  	v4 =	vmul.u32 $0x30, v63  }
0x98: {  	v3 =	vand.u32 $0x7, v3  }
0x99: {  	v3 =	vor.u32 v3, v4  }
0x9a: {  	v4 =	vperm.xlane v3, v0;
	_ =	sdelay $0x1  }
0x9b: {  	v4 =	vadd.s32 v1, v4;
	_ =	sdelay $0x3  }
0x9c: {  	s31 =	sadd.s32 $0x4600, s20;
	v3 =	vperm.xlane v3, v2  }
0x9d: {  	[tilespmem:s31], [sflag:s30] =	stream.indirect_vreg.gather [hbm4b:s1+s5], $0x80, v4, vm0, $0xb8;
	[tilespmem:$0x19600] =	vst v63  }
0x9e: {  	s21 =	sadd.s32 $0x4E00, s20;
	v3 =	vadd.s32 v1, v3  }
0x9f: {  	[tilespmem:s21], [sflag:s30] =	stream.indirect_vreg.gather [hbm4b:s7+s5], $0x80, v4, vm0, $0xb8;
	[tilespmem:$0x19600] =	vst v63  }
0xa0: {  	s22 =	sadd.s32 $0x5600, s20;
	s21 =	sshrl.u32 s2, $0x3  }
0xa1: {  	[tilespmem:s22], [sflag:s30] =	stream.indirect_vreg.gather [hbm4b:s8+s5], $0x80, v4, vm0, $0xb8;
	[tilespmem:$0x19600] =	vst v63  }
0xa2: {  	s29 =	sadd.s32 $0x5E00, s20;
	s2 =	smul.u32 $0x1800, s21;
	s22 =	sand.u32 $0x380, s18  }
0xa3: {  	[tilespmem:s29], [sflag:s30] =	stream.indirect_vreg.gather [hbm4b:s1+s5], $0x80, v3, vm0, $0xb8;
	[tilespmem:$0x19600] =	vst v63  }
0xa4: {  	s31 =	sadd.s32 $0x6600, s20;
	s2 =	sor.u32 s22, s2  }
0xa5: {  	[tilespmem:s31], [sflag:s30] =	stream.indirect_vreg.gather [hbm4b:s7+s5], $0x80, v3, vm0, $0xb8;
	[tilespmem:$0x19600] =	vst v63  }
0xa6: {  	s20 =	sadd.s32 $0x6E00, s20;
	s18 =	sand.u32 $0x180, s18;
	s2 =	sshrl.u32 s2, $0x3  }
0xa7: {  	[tilespmem:s20], [sflag:s30] =	stream.indirect_vreg.gather [hbm4b:s8+s5], $0x80, v3, vm0, $0xb8;
	[tilespmem:$0x19600] =	vst v63  }
0xa8: {  	s0 =	sadd.s32 $0x5, s0;
	s29 =	sor.u32 $0xA00, s18;
	s2 =	sadd.s32 s3, s2  }
0xa9: {  	[tilespmem:s29], [sflag:s0] =	stream.linear.gather [hbm4b:s2+s5], $0x80, $0x38;
	[tilespmem:$0x19600] =	vst v63  }
0xaa: {  	s31 =	sor.u32 $0xC00, s18;
	s30 =	sadd.s32 $0x80, s2  }
0xab: {  	[tilespmem:s31], [sflag:s0] =	stream.linear.gather [hbm4b:s30+s5], $0x80, $0x38;
	[tilespmem:$0x19600] =	vst v63  }
0xac: {  	s21 =	sor.u32 $0xE00, s18;
	s20 =	sadd.s32 $0x100, s2  }
0xad: {  	[tilespmem:s21], [sflag:s0] =	stream.linear.gather [hbm4b:s20+s5], $0x80, $0x38;
	[tilespmem:$0x19600] =	vst v63  }
0xae: {  	s22 =	sadd.s32 $0x180, s2;
	s29 =	sor.u32 $0x1000, s18  }
0xaf: {  	[tilespmem:s29], [sflag:s0] =	stream.linear.gather [hbm4b:s22+s5], $0x80, $0x38;
	[tilespmem:$0x19600] =	vst v63  }
0xb0: {  	s30 =	sadd.s32 $0x200, s2;
	s31 =	sor.u32 $0x1200, s18  }
0xb1: {  	[tilespmem:s31], [sflag:s0] =	stream.linear.gather [hbm4b:s30+s5], $0x80, $0x38;
	[tilespmem:$0x19600] =	vst v63  }
0xb2: {  	s2 =	sadd.s32 $0x280, s2;
	s18 =	sor.u32 $0x1400, s18  }
0xb3: {  	[tilespmem:s18], [sflag:s0] =	stream.linear.gather [hbm4b:s2+s5], $0x80, $0x38;
	[tilespmem:$0x19600] =	vst v63  }
.LBB2_4:
0xb4: {  	s29 =	sand.u32 $0x3, s28  }
0xb5: {  	s0 =	sadd.s32 $0x1, s29  }
0xb6: {  	_ =	swait.ge [sflag:s0], $0x6000  }
0xb7: {  	[sflag:s0] =	ssyncset.done $0x0  }
0xb8: {  	s22 =	sadd.s32 $0x5, s29;
	[sflag:s0] =	ssyncadd.s32 $0xFFFFA000  }
0xb9: {  	_ =	swait.ge [sflag:s22], $0x300  }
0xba: {  	s2 =	sshll.u32 s28, $0x7;
	[sflag:s22] =	ssyncset.done $0x0  }
0xbb: {  	s31 =	sand.u32 $0x180, s2;
	[sflag:s22] =	ssyncadd.s32 $0xFFFFFD00  }
0xbc: {  	v3 =	vld [tilespmem:s31+$0xA00]  }
0xbd: {  	v4 =	vld [tilespmem:s31+$0xA10]  }
0xbe: {  	s20 =	simm.s32 $0x0;
	s18 =	smul.u32 $0x18000, s29;
	v5 =	vld [tilespmem:s31+$0xA20]  }
0xbf: {  	s19 =	smul.u32 $0x6000, s20;
	v8 =	vld [tilespmem:s31+$0xA70]  }
0xc0: {  	s2 =	sshrl.u32 s18, $0x2;
	v6 =	vld [tilespmem:s31+$0xA30]  }
0xc1: {  	s18 =	simm.s32 $0x0;
	s21 =	sshra.s32 s19, $0x2;
	s30 =	sor.u32 $0x1600, s2;
	v7 =	vld [tilespmem:s31+$0xA40]  }
0xc2: {  	s0 =	sadd.s32 s21, s30;
	s22 =	sand.u32 $0x200, s18;
	v9 =	vld [tilespmem:s31+$0xA50]  }
0xc3: {  	v10 =	vld [tilespmem:s31+$0xA60];
	s0 =	sadd.s32 s22, s0  }
0xc4: {  	[tilespmem:s0+$0x1F0] =	vst.add.f32.msk $0xffff, v8  }
0xc5: {  	[tilespmem:s0+$0x0] =	vst.add.f32.msk $0xffff, v3  }
0xc6: {  	[tilespmem:s0+$0x10] =	vst.add.f32.msk $0xffff, v4  }
0xc7: {  	[tilespmem:s0+$0x20] =	vst.add.f32.msk $0xffff, v5  }
0xc8: {  	[tilespmem:s0+$0x30] =	vst.add.f32.msk $0xffff, v6  }
0xc9: {  	[tilespmem:s0+$0x40] =	vst.add.f32.msk $0xffff, v7  }
0xca: {  	[tilespmem:s0+$0x50] =	vst.add.f32.msk $0xffff, v9  }
0xcb: {  	[tilespmem:s0+$0x60] =	vst.add.f32.msk $0xffff, v10  }
0xcc: {  	[tilespmem:s0+$0x70] =	vst.add.f32.msk $0xffff, v8  }
0xcd: {  	[tilespmem:s0+$0x80] =	vst.add.f32.msk $0xffff, v3  }
0xce: {  	[tilespmem:s0+$0x90] =	vst.add.f32.msk $0xffff, v4  }
0xcf: {  	[tilespmem:s0+$0xA0] =	vst.add.f32.msk $0xffff, v5  }
0xd0: {  	[tilespmem:s0+$0xB0] =	vst.add.f32.msk $0xffff, v6  }
0xd1: {  	[tilespmem:s0+$0xC0] =	vst.add.f32.msk $0xffff, v7  }
0xd2: {  	[tilespmem:s0+$0xD0] =	vst.add.f32.msk $0xffff, v9  }
0xd3: {  	[tilespmem:s0+$0xE0] =	vst.add.f32.msk $0xffff, v10  }
0xd4: {  	[tilespmem:s0+$0xF0] =	vst.add.f32.msk $0xffff, v8  }
0xd5: {  	[tilespmem:s0+$0x100] =	vst.add.f32.msk $0xffff, v3  }
0xd6: {  	[tilespmem:s0+$0x110] =	vst.add.f32.msk $0xffff, v4  }
0xd7: {  	[tilespmem:s0+$0x120] =	vst.add.f32.msk $0xffff, v5  }
0xd8: {  	[tilespmem:s0+$0x130] =	vst.add.f32.msk $0xffff, v6  }
0xd9: {  	[tilespmem:s0+$0x140] =	vst.add.f32.msk $0xffff, v7  }
0xda: {  	[tilespmem:s0+$0x150] =	vst.add.f32.msk $0xffff, v9  }
0xdb: {  	[tilespmem:s0+$0x160] =	vst.add.f32.msk $0xffff, v10  }
0xdc: {  	s19 =	simm.s32 $0x0;
	[tilespmem:s0+$0x170] =	vst.add.f32.msk $0xffff, v8  }
.LBB2_5:
0xdd: {  	s19 =	sadd.s32 $0x4, s19;
	[tilespmem:s0+$0x180] =	vst.add.f32.msk $0xffff, v3  }
0xde: {  	s20 =	sshrl.u32 s19, $0x3;
	p0 =	slt.u32 s19, $0x1C;
	[tilespmem:s0+$0x190] =	vst.add.f32.msk $0xffff, v4  }
0xdf: {  	s20 =	smul.u32 $0x6000, s20;
	[tilespmem:s0+$0x1A0] =	vst.add.f32.msk $0xffff, v5  }
0xe0: {  	[tilespmem:s0+$0x1B0] =	vst.add.f32.msk $0xffff, v6  }
0xe1: {  	s18 =	sadd.s32 $0x200, s18;
	s20 =	sshra.s32 s20, $0x2;
	[tilespmem:s0+$0x1C0] =	vst.add.f32.msk $0xffff, v7  }
0xe2: {  	s21 =	sand.u32 $0x200, s18;
	s20 =	sadd.s32 s20, s30;
	[tilespmem:s0+$0x1D0] =	vst.add.f32.msk $0xffff, v9  }
0xe3: {  	[tilespmem:s0+$0x1E0] =	vst.add.f32.msk $0xffff, v10;
	s0 =	sadd.s32 s21, s20  }
0xe4: {  	[tilespmem:s0+$0x1F0] =	vst.add.f32.msk $0xffff, v8  }
0xe5: {  	[tilespmem:s0+$0x0] =	vst.add.f32.msk $0xffff, v3  }
0xe6: {  	[tilespmem:s0+$0x10] =	vst.add.f32.msk $0xffff, v4  }
0xe7: {  	[tilespmem:s0+$0x20] =	vst.add.f32.msk $0xffff, v5  }
0xe8: {  	[tilespmem:s0+$0x30] =	vst.add.f32.msk $0xffff, v6  }
0xe9: {  	[tilespmem:s0+$0x40] =	vst.add.f32.msk $0xffff, v7  }
0xea: {  	[tilespmem:s0+$0x50] =	vst.add.f32.msk $0xffff, v9  }
0xeb: {  	[tilespmem:s0+$0x60] =	vst.add.f32.msk $0xffff, v10  }
0xec: {  	[tilespmem:s0+$0x70] =	vst.add.f32.msk $0xffff, v8  }
0xed: {  	[tilespmem:s0+$0x80] =	vst.add.f32.msk $0xffff, v3  }
0xee: {  	[tilespmem:s0+$0x90] =	vst.add.f32.msk $0xffff, v4  }
0xef: {  	[tilespmem:s0+$0xA0] =	vst.add.f32.msk $0xffff, v5  }
0xf0: {  	[tilespmem:s0+$0xB0] =	vst.add.f32.msk $0xffff, v6  }
0xf1: {  	[tilespmem:s0+$0xC0] =	vst.add.f32.msk $0xffff, v7  }
0xf2: {  	[tilespmem:s0+$0xD0] =	vst.add.f32.msk $0xffff, v9  }
0xf3: {  	[tilespmem:s0+$0xE0] =	vst.add.f32.msk $0xffff, v10  }
0xf4: {  	[tilespmem:s0+$0xF0] =	vst.add.f32.msk $0xffff, v8  }
0xf5: {  	[tilespmem:s0+$0x100] =	vst.add.f32.msk $0xffff, v3  }
0xf6: {  	[tilespmem:s0+$0x110] =	vst.add.f32.msk $0xffff, v4  }
0xf7: {  	[tilespmem:s0+$0x120] =	vst.add.f32.msk $0xffff, v5  }
.Ltmp1:
0xf8: {  	[tilespmem:s0+$0x130] =	vst.add.f32.msk $0xffff, v6;
	(pc) =	sbr.rel @p0 .LBB2_5-.Ltmp1, $4  }
0xf9: {  	[tilespmem:s0+$0x140] =	vst.add.f32.msk $0xffff, v7  }
0xfa: {  	[tilespmem:s0+$0x150] =	vst.add.f32.msk $0xffff, v9  }
0xfb: {  	[tilespmem:s0+$0x160] =	vst.add.f32.msk $0xffff, v10  }
0xfc: {  	[tilespmem:s0+$0x170] =	vst.add.f32.msk $0xffff, v8  }
0xfd: {  	[tilespmem:s0+$0x180] =	vst.add.f32.msk $0xffff, v3  }
0xfe: {  	[tilespmem:s0+$0x190] =	vst.add.f32.msk $0xffff, v4  }
0xff: {  	[tilespmem:s0+$0x1A0] =	vst.add.f32.msk $0xffff, v5  }
0x100: {  	[tilespmem:s0+$0x1B0] =	vst.add.f32.msk $0xffff, v6  }
0x101: {  	[tilespmem:s0+$0x1C0] =	vst.add.f32.msk $0xffff, v7  }
0x102: {  	[tilespmem:s0+$0x1D0] =	vst.add.f32.msk $0xffff, v9  }
0x103: {  	[tilespmem:s0+$0x1E0] =	vst.add.f32.msk $0xffff, v10  }
0x104: {  	v3 =	vld [tilespmem:s31+$0xC00]  }
0x105: {  	v4 =	vld [tilespmem:s31+$0xC10]  }
0x106: {  	s22 =	simm.s32 $0x0;
	v5 =	vld [tilespmem:s31+$0xC20]  }
0x107: {  	v9 =	vld [tilespmem:s31+$0xC70];
	s0 =	smul.u32 $0x6000, s22  }
0x108: {  	v6 =	vld [tilespmem:s31+$0xC30]  }
0x109: {  	s18 =	simm.s32 $0x0;
	v7 =	vld [tilespmem:s31+$0xC40];
	s0 =	sshra.s32 s0, $0x2  }
0x10a: {  	v8 =	vld [tilespmem:s31+$0xC50];
	s19 =	sand.u32 $0x200, s18;
	s0 =	sadd.s32 s0, s30  }
0x10b: {  	v10 =	vld [tilespmem:s31+$0xC60];
	s0 =	sadd.s32 s19, s0  }
0x10c: {  	[tilespmem:s0+$0x5F0] =	vst.add.f32.msk $0xffff, v9  }
0x10d: {  	[tilespmem:s0+$0x400] =	vst.add.f32.msk $0xffff, v3  }
0x10e: {  	[tilespmem:s0+$0x410] =	vst.add.f32.msk $0xffff, v4  }
0x10f: {  	[tilespmem:s0+$0x420] =	vst.add.f32.msk $0xffff, v5  }
0x110: {  	[tilespmem:s0+$0x430] =	vst.add.f32.msk $0xffff, v6  }
0x111: {  	[tilespmem:s0+$0x440] =	vst.add.f32.msk $0xffff, v7  }
0x112: {  	[tilespmem:s0+$0x450] =	vst.add.f32.msk $0xffff, v8  }
0x113: {  	[tilespmem:s0+$0x460] =	vst.add.f32.msk $0xffff, v10  }
0x114: {  	[tilespmem:s0+$0x470] =	vst.add.f32.msk $0xffff, v9  }
0x115: {  	[tilespmem:s0+$0x480] =	vst.add.f32.msk $0xffff, v3  }
0x116: {  	[tilespmem:s0+$0x490] =	vst.add.f32.msk $0xffff, v4  }
0x117: {  	[tilespmem:s0+$0x4A0] =	vst.add.f32.msk $0xffff, v5  }
0x118: {  	[tilespmem:s0+$0x4B0] =	vst.add.f32.msk $0xffff, v6  }
0x119: {  	[tilespmem:s0+$0x4C0] =	vst.add.f32.msk $0xffff, v7  }
0x11a: {  	[tilespmem:s0+$0x4D0] =	vst.add.f32.msk $0xffff, v8  }
0x11b: {  	[tilespmem:s0+$0x4E0] =	vst.add.f32.msk $0xffff, v10  }
0x11c: {  	[tilespmem:s0+$0x4F0] =	vst.add.f32.msk $0xffff, v9  }
0x11d: {  	[tilespmem:s0+$0x500] =	vst.add.f32.msk $0xffff, v3  }
0x11e: {  	[tilespmem:s0+$0x510] =	vst.add.f32.msk $0xffff, v4  }
0x11f: {  	[tilespmem:s0+$0x520] =	vst.add.f32.msk $0xffff, v5  }
0x120: {  	[tilespmem:s0+$0x530] =	vst.add.f32.msk $0xffff, v6  }
0x121: {  	[tilespmem:s0+$0x540] =	vst.add.f32.msk $0xffff, v7  }
0x122: {  	[tilespmem:s0+$0x550] =	vst.add.f32.msk $0xffff, v8  }
0x123: {  	[tilespmem:s0+$0x560] =	vst.add.f32.msk $0xffff, v10  }
0x124: {  	s19 =	simm.s32 $0x0;
	[tilespmem:s0+$0x570] =	vst.add.f32.msk $0xffff, v9  }
.LBB2_7:
0x125: {  	s19 =	sadd.s32 $0x4, s19;
	[tilespmem:s0+$0x580] =	vst.add.f32.msk $0xffff, v3  }
0x126: {  	s20 =	sshrl.u32 s19, $0x3;
	p0 =	slt.u32 s19, $0x1C;
	[tilespmem:s0+$0x590] =	vst.add.f32.msk $0xffff, v4  }
0x127: {  	s20 =	smul.u32 $0x6000, s20;
	[tilespmem:s0+$0x5A0] =	vst.add.f32.msk $0xffff, v5  }
0x128: {  	[tilespmem:s0+$0x5B0] =	vst.add.f32.msk $0xffff, v6  }
0x129: {  	s18 =	sadd.s32 $0x200, s18;
	s20 =	sshra.s32 s20, $0x2;
	[tilespmem:s0+$0x5C0] =	vst.add.f32.msk $0xffff, v7  }
0x12a: {  	s21 =	sand.u32 $0x200, s18;
	s20 =	sadd.s32 s20, s30;
	[tilespmem:s0+$0x5D0] =	vst.add.f32.msk $0xffff, v8  }
0x12b: {  	[tilespmem:s0+$0x5E0] =	vst.add.f32.msk $0xffff, v10;
	s0 =	sadd.s32 s21, s20  }
0x12c: {  	[tilespmem:s0+$0x5F0] =	vst.add.f32.msk $0xffff, v9  }
0x12d: {  	[tilespmem:s0+$0x400] =	vst.add.f32.msk $0xffff, v3  }
0x12e: {  	[tilespmem:s0+$0x410] =	vst.add.f32.msk $0xffff, v4  }
0x12f: {  	[tilespmem:s0+$0x420] =	vst.add.f32.msk $0xffff, v5  }
0x130: {  	[tilespmem:s0+$0x430] =	vst.add.f32.msk $0xffff, v6  }
0x131: {  	[tilespmem:s0+$0x440] =	vst.add.f32.msk $0xffff, v7  }
0x132: {  	[tilespmem:s0+$0x450] =	vst.add.f32.msk $0xffff, v8  }
0x133: {  	[tilespmem:s0+$0x460] =	vst.add.f32.msk $0xffff, v10  }
0x134: {  	[tilespmem:s0+$0x470] =	vst.add.f32.msk $0xffff, v9  }
0x135: {  	[tilespmem:s0+$0x480] =	vst.add.f32.msk $0xffff, v3  }
0x136: {  	[tilespmem:s0+$0x490] =	vst.add.f32.msk $0xffff, v4  }
0x137: {  	[tilespmem:s0+$0x4A0] =	vst.add.f32.msk $0xffff, v5  }
0x138: {  	[tilespmem:s0+$0x4B0] =	vst.add.f32.msk $0xffff, v6  }
0x139: {  	[tilespmem:s0+$0x4C0] =	vst.add.f32.msk $0xffff, v7  }
0x13a: {  	[tilespmem:s0+$0x4D0] =	vst.add.f32.msk $0xffff, v8  }
0x13b: {  	[tilespmem:s0+$0x4E0] =	vst.add.f32.msk $0xffff, v10  }
0x13c: {  	[tilespmem:s0+$0x4F0] =	vst.add.f32.msk $0xffff, v9  }
0x13d: {  	[tilespmem:s0+$0x500] =	vst.add.f32.msk $0xffff, v3  }
0x13e: {  	[tilespmem:s0+$0x510] =	vst.add.f32.msk $0xffff, v4  }
0x13f: {  	[tilespmem:s0+$0x520] =	vst.add.f32.msk $0xffff, v5  }
.Ltmp2:
0x140: {  	[tilespmem:s0+$0x530] =	vst.add.f32.msk $0xffff, v6;
	(pc) =	sbr.rel @p0 .LBB2_7-.Ltmp2, $4  }
0x141: {  	[tilespmem:s0+$0x540] =	vst.add.f32.msk $0xffff, v7  }
0x142: {  	[tilespmem:s0+$0x550] =	vst.add.f32.msk $0xffff, v8  }
0x143: {  	[tilespmem:s0+$0x560] =	vst.add.f32.msk $0xffff, v10  }
0x144: {  	[tilespmem:s0+$0x570] =	vst.add.f32.msk $0xffff, v9  }
0x145: {  	[tilespmem:s0+$0x580] =	vst.add.f32.msk $0xffff, v3  }
0x146: {  	[tilespmem:s0+$0x590] =	vst.add.f32.msk $0xffff, v4  }
0x147: {  	[tilespmem:s0+$0x5A0] =	vst.add.f32.msk $0xffff, v5  }
0x148: {  	[tilespmem:s0+$0x5B0] =	vst.add.f32.msk $0xffff, v6  }
0x149: {  	[tilespmem:s0+$0x5C0] =	vst.add.f32.msk $0xffff, v7  }
0x14a: {  	[tilespmem:s0+$0x5D0] =	vst.add.f32.msk $0xffff, v8  }
0x14b: {  	[tilespmem:s0+$0x5E0] =	vst.add.f32.msk $0xffff, v10  }
0x14c: {  	v3 =	vld [tilespmem:s31+$0xE00]  }
0x14d: {  	v4 =	vld [tilespmem:s31+$0xE10]  }
0x14e: {  	s22 =	simm.s32 $0x0;
	v5 =	vld [tilespmem:s31+$0xE20]  }
0x14f: {  	v8 =	vld [tilespmem:s31+$0xE70];
	s18 =	smul.u32 $0x6000, s22  }
0x150: {  	v6 =	vld [tilespmem:s31+$0xE30]  }
0x151: {  	s0 =	sadd.s32 $0x1E00, s2;
	s19 =	simm.s32 $0x0;
	v7 =	vld [tilespmem:s31+$0xE40];
	s18 =	sshra.s32 s18, $0x2  }
0x152: {  	v9 =	vld [tilespmem:s31+$0xE50];
	s20 =	sand.u32 $0x200, s19;
	s18 =	sadd.s32 s18, s0  }
0x153: {  	v10 =	vld [tilespmem:s31+$0xE60];
	s18 =	sadd.s32 s20, s18  }
0x154: {  	[tilespmem:s18+$0x1F0] =	vst.add.f32.msk $0xffff, v8  }
0x155: {  	[tilespmem:s18+$0x0] =	vst.add.f32.msk $0xffff, v3  }
0x156: {  	[tilespmem:s18+$0x10] =	vst.add.f32.msk $0xffff, v4  }
0x157: {  	[tilespmem:s18+$0x20] =	vst.add.f32.msk $0xffff, v5  }
0x158: {  	[tilespmem:s18+$0x30] =	vst.add.f32.msk $0xffff, v6  }
0x159: {  	[tilespmem:s18+$0x40] =	vst.add.f32.msk $0xffff, v7  }
0x15a: {  	[tilespmem:s18+$0x50] =	vst.add.f32.msk $0xffff, v9  }
0x15b: {  	[tilespmem:s18+$0x60] =	vst.add.f32.msk $0xffff, v10  }
0x15c: {  	[tilespmem:s18+$0x70] =	vst.add.f32.msk $0xffff, v8  }
0x15d: {  	[tilespmem:s18+$0x80] =	vst.add.f32.msk $0xffff, v3  }
0x15e: {  	[tilespmem:s18+$0x90] =	vst.add.f32.msk $0xffff, v4  }
0x15f: {  	[tilespmem:s18+$0xA0] =	vst.add.f32.msk $0xffff, v5  }
0x160: {  	[tilespmem:s18+$0xB0] =	vst.add.f32.msk $0xffff, v6  }
0x161: {  	[tilespmem:s18+$0xC0] =	vst.add.f32.msk $0xffff, v7  }
0x162: {  	[tilespmem:s18+$0xD0] =	vst.add.f32.msk $0xffff, v9  }
0x163: {  	[tilespmem:s18+$0xE0] =	vst.add.f32.msk $0xffff, v10  }
0x164: {  	[tilespmem:s18+$0xF0] =	vst.add.f32.msk $0xffff, v8  }
0x165: {  	[tilespmem:s18+$0x100] =	vst.add.f32.msk $0xffff, v3  }
0x166: {  	[tilespmem:s18+$0x110] =	vst.add.f32.msk $0xffff, v4  }
0x167: {  	[tilespmem:s18+$0x120] =	vst.add.f32.msk $0xffff, v5  }
0x168: {  	[tilespmem:s18+$0x130] =	vst.add.f32.msk $0xffff, v6  }
0x169: {  	[tilespmem:s18+$0x140] =	vst.add.f32.msk $0xffff, v7  }
0x16a: {  	[tilespmem:s18+$0x150] =	vst.add.f32.msk $0xffff, v9  }
0x16b: {  	[tilespmem:s18+$0x160] =	vst.add.f32.msk $0xffff, v10  }
0x16c: {  	s20 =	simm.s32 $0x0;
	[tilespmem:s18+$0x170] =	vst.add.f32.msk $0xffff, v8  }
.LBB2_9:
0x16d: {  	s20 =	sadd.s32 $0x4, s20;
	[tilespmem:s18+$0x180] =	vst.add.f32.msk $0xffff, v3  }
0x16e: {  	s21 =	sshrl.u32 s20, $0x3;
	p0 =	slt.u32 s20, $0x1C;
	[tilespmem:s18+$0x190] =	vst.add.f32.msk $0xffff, v4  }
0x16f: {  	s21 =	smul.u32 $0x6000, s21;
	[tilespmem:s18+$0x1A0] =	vst.add.f32.msk $0xffff, v5  }
0x170: {  	[tilespmem:s18+$0x1B0] =	vst.add.f32.msk $0xffff, v6  }
0x171: {  	s19 =	sadd.s32 $0x200, s19;
	s21 =	sshra.s32 s21, $0x2;
	[tilespmem:s18+$0x1C0] =	vst.add.f32.msk $0xffff, v7  }
0x172: {  	s22 =	sand.u32 $0x200, s19;
	s21 =	sadd.s32 s21, s0;
	[tilespmem:s18+$0x1D0] =	vst.add.f32.msk $0xffff, v9  }
0x173: {  	[tilespmem:s18+$0x1E0] =	vst.add.f32.msk $0xffff, v10;
	s18 =	sadd.s32 s22, s21  }
0x174: {  	[tilespmem:s18+$0x1F0] =	vst.add.f32.msk $0xffff, v8  }
0x175: {  	[tilespmem:s18+$0x0] =	vst.add.f32.msk $0xffff, v3  }
0x176: {  	[tilespmem:s18+$0x10] =	vst.add.f32.msk $0xffff, v4  }
0x177: {  	[tilespmem:s18+$0x20] =	vst.add.f32.msk $0xffff, v5  }
0x178: {  	[tilespmem:s18+$0x30] =	vst.add.f32.msk $0xffff, v6  }
0x179: {  	[tilespmem:s18+$0x40] =	vst.add.f32.msk $0xffff, v7  }
0x17a: {  	[tilespmem:s18+$0x50] =	vst.add.f32.msk $0xffff, v9  }
0x17b: {  	[tilespmem:s18+$0x60] =	vst.add.f32.msk $0xffff, v10  }
0x17c: {  	[tilespmem:s18+$0x70] =	vst.add.f32.msk $0xffff, v8  }
0x17d: {  	[tilespmem:s18+$0x80] =	vst.add.f32.msk $0xffff, v3  }
0x17e: {  	[tilespmem:s18+$0x90] =	vst.add.f32.msk $0xffff, v4  }
0x17f: {  	[tilespmem:s18+$0xA0] =	vst.add.f32.msk $0xffff, v5  }
0x180: {  	[tilespmem:s18+$0xB0] =	vst.add.f32.msk $0xffff, v6  }
0x181: {  	[tilespmem:s18+$0xC0] =	vst.add.f32.msk $0xffff, v7  }
0x182: {  	[tilespmem:s18+$0xD0] =	vst.add.f32.msk $0xffff, v9  }
0x183: {  	[tilespmem:s18+$0xE0] =	vst.add.f32.msk $0xffff, v10  }
0x184: {  	[tilespmem:s18+$0xF0] =	vst.add.f32.msk $0xffff, v8  }
0x185: {  	[tilespmem:s18+$0x100] =	vst.add.f32.msk $0xffff, v3  }
0x186: {  	[tilespmem:s18+$0x110] =	vst.add.f32.msk $0xffff, v4  }
0x187: {  	[tilespmem:s18+$0x120] =	vst.add.f32.msk $0xffff, v5  }
.Ltmp3:
0x188: {  	[tilespmem:s18+$0x130] =	vst.add.f32.msk $0xffff, v6;
	(pc) =	sbr.rel @p0 .LBB2_9-.Ltmp3, $4  }
0x189: {  	[tilespmem:s18+$0x140] =	vst.add.f32.msk $0xffff, v7  }
0x18a: {  	[tilespmem:s18+$0x150] =	vst.add.f32.msk $0xffff, v9  }
0x18b: {  	[tilespmem:s18+$0x160] =	vst.add.f32.msk $0xffff, v10  }
0x18c: {  	[tilespmem:s18+$0x170] =	vst.add.f32.msk $0xffff, v8  }
0x18d: {  	[tilespmem:s18+$0x180] =	vst.add.f32.msk $0xffff, v3  }
0x18e: {  	[tilespmem:s18+$0x190] =	vst.add.f32.msk $0xffff, v4  }
0x18f: {  	[tilespmem:s18+$0x1A0] =	vst.add.f32.msk $0xffff, v5  }
0x190: {  	[tilespmem:s18+$0x1B0] =	vst.add.f32.msk $0xffff, v6  }
0x191: {  	[tilespmem:s18+$0x1C0] =	vst.add.f32.msk $0xffff, v7  }
0x192: {  	[tilespmem:s18+$0x1D0] =	vst.add.f32.msk $0xffff, v9  }
0x193: {  	[tilespmem:s18+$0x1E0] =	vst.add.f32.msk $0xffff, v10  }
0x194: {  	v3 =	vld [tilespmem:s31+$0x1000]  }
0x195: {  	v4 =	vld [tilespmem:s31+$0x1010]  }
0x196: {  	s0 =	simm.s32 $0x0;
	v5 =	vld [tilespmem:s31+$0x1020]  }
0x197: {  	v8 =	vld [tilespmem:s31+$0x1070];
	s22 =	smul.u32 $0x6000, s0  }
0x198: {  	v6 =	vld [tilespmem:s31+$0x1030]  }
0x199: {  	s19 =	simm.s32 $0x0;
	v7 =	vld [tilespmem:s31+$0x1040];
	s0 =	sadd.s32 $0x2200, s2;
	s18 =	sshra.s32 s22, $0x2  }
0x19a: {  	v9 =	vld [tilespmem:s31+$0x1050];
	s20 =	sand.u32 $0x200, s19;
	s18 =	sadd.s32 s18, s0  }
0x19b: {  	v10 =	vld [tilespmem:s31+$0x1060];
	s18 =	sadd.s32 s20, s18  }
0x19c: {  	[tilespmem:s18+$0x1F0] =	vst.add.f32.msk $0xffff, v8  }
0x19d: {  	[tilespmem:s18+$0x0] =	vst.add.f32.msk $0xffff, v3  }
0x19e: {  	[tilespmem:s18+$0x10] =	vst.add.f32.msk $0xffff, v4  }
0x19f: {  	[tilespmem:s18+$0x20] =	vst.add.f32.msk $0xffff, v5  }
0x1a0: {  	[tilespmem:s18+$0x30] =	vst.add.f32.msk $0xffff, v6  }
0x1a1: {  	[tilespmem:s18+$0x40] =	vst.add.f32.msk $0xffff, v7  }
0x1a2: {  	[tilespmem:s18+$0x50] =	vst.add.f32.msk $0xffff, v9  }
0x1a3: {  	[tilespmem:s18+$0x60] =	vst.add.f32.msk $0xffff, v10  }
0x1a4: {  	[tilespmem:s18+$0x70] =	vst.add.f32.msk $0xffff, v8  }
0x1a5: {  	[tilespmem:s18+$0x80] =	vst.add.f32.msk $0xffff, v3  }
0x1a6: {  	[tilespmem:s18+$0x90] =	vst.add.f32.msk $0xffff, v4  }
0x1a7: {  	[tilespmem:s18+$0xA0] =	vst.add.f32.msk $0xffff, v5  }
0x1a8: {  	[tilespmem:s18+$0xB0] =	vst.add.f32.msk $0xffff, v6  }
0x1a9: {  	[tilespmem:s18+$0xC0] =	vst.add.f32.msk $0xffff, v7  }
0x1aa: {  	[tilespmem:s18+$0xD0] =	vst.add.f32.msk $0xffff, v9  }
0x1ab: {  	[tilespmem:s18+$0xE0] =	vst.add.f32.msk $0xffff, v10  }
0x1ac: {  	[tilespmem:s18+$0xF0] =	vst.add.f32.msk $0xffff, v8  }
0x1ad: {  	[tilespmem:s18+$0x100] =	vst.add.f32.msk $0xffff, v3  }
0x1ae: {  	[tilespmem:s18+$0x110] =	vst.add.f32.msk $0xffff, v4  }
0x1af: {  	[tilespmem:s18+$0x120] =	vst.add.f32.msk $0xffff, v5  }
0x1b0: {  	[tilespmem:s18+$0x130] =	vst.add.f32.msk $0xffff, v6  }
0x1b1: {  	[tilespmem:s18+$0x140] =	vst.add.f32.msk $0xffff, v7  }
0x1b2: {  	[tilespmem:s18+$0x150] =	vst.add.f32.msk $0xffff, v9  }
0x1b3: {  	[tilespmem:s18+$0x160] =	vst.add.f32.msk $0xffff, v10  }
0x1b4: {  	s20 =	simm.s32 $0x0;
	[tilespmem:s18+$0x170] =	vst.add.f32.msk $0xffff, v8  }
.LBB2_11:
0x1b5: {  	s20 =	sadd.s32 $0x4, s20;
	[tilespmem:s18+$0x180] =	vst.add.f32.msk $0xffff, v3  }
0x1b6: {  	s21 =	sshrl.u32 s20, $0x3;
	p0 =	slt.u32 s20, $0x1C;
	[tilespmem:s18+$0x190] =	vst.add.f32.msk $0xffff, v4  }
0x1b7: {  	s21 =	smul.u32 $0x6000, s21;
	[tilespmem:s18+$0x1A0] =	vst.add.f32.msk $0xffff, v5  }
0x1b8: {  	[tilespmem:s18+$0x1B0] =	vst.add.f32.msk $0xffff, v6  }
0x1b9: {  	s19 =	sadd.s32 $0x200, s19;
	s21 =	sshra.s32 s21, $0x2;
	[tilespmem:s18+$0x1C0] =	vst.add.f32.msk $0xffff, v7  }
0x1ba: {  	s22 =	sand.u32 $0x200, s19;
	s21 =	sadd.s32 s21, s0;
	[tilespmem:s18+$0x1D0] =	vst.add.f32.msk $0xffff, v9  }
0x1bb: {  	[tilespmem:s18+$0x1E0] =	vst.add.f32.msk $0xffff, v10;
	s18 =	sadd.s32 s22, s21  }
0x1bc: {  	[tilespmem:s18+$0x1F0] =	vst.add.f32.msk $0xffff, v8  }
0x1bd: {  	[tilespmem:s18+$0x0] =	vst.add.f32.msk $0xffff, v3  }
0x1be: {  	[tilespmem:s18+$0x10] =	vst.add.f32.msk $0xffff, v4  }
0x1bf: {  	[tilespmem:s18+$0x20] =	vst.add.f32.msk $0xffff, v5  }
0x1c0: {  	[tilespmem:s18+$0x30] =	vst.add.f32.msk $0xffff, v6  }
0x1c1: {  	[tilespmem:s18+$0x40] =	vst.add.f32.msk $0xffff, v7  }
0x1c2: {  	[tilespmem:s18+$0x50] =	vst.add.f32.msk $0xffff, v9  }
0x1c3: {  	[tilespmem:s18+$0x60] =	vst.add.f32.msk $0xffff, v10  }
0x1c4: {  	[tilespmem:s18+$0x70] =	vst.add.f32.msk $0xffff, v8  }
0x1c5: {  	[tilespmem:s18+$0x80] =	vst.add.f32.msk $0xffff, v3  }
0x1c6: {  	[tilespmem:s18+$0x90] =	vst.add.f32.msk $0xffff, v4  }
0x1c7: {  	[tilespmem:s18+$0xA0] =	vst.add.f32.msk $0xffff, v5  }
0x1c8: {  	[tilespmem:s18+$0xB0] =	vst.add.f32.msk $0xffff, v6  }
0x1c9: {  	[tilespmem:s18+$0xC0] =	vst.add.f32.msk $0xffff, v7  }
0x1ca: {  	[tilespmem:s18+$0xD0] =	vst.add.f32.msk $0xffff, v9  }
0x1cb: {  	[tilespmem:s18+$0xE0] =	vst.add.f32.msk $0xffff, v10  }
0x1cc: {  	[tilespmem:s18+$0xF0] =	vst.add.f32.msk $0xffff, v8  }
0x1cd: {  	[tilespmem:s18+$0x100] =	vst.add.f32.msk $0xffff, v3  }
0x1ce: {  	[tilespmem:s18+$0x110] =	vst.add.f32.msk $0xffff, v4  }
0x1cf: {  	[tilespmem:s18+$0x120] =	vst.add.f32.msk $0xffff, v5  }
.Ltmp4:
0x1d0: {  	[tilespmem:s18+$0x130] =	vst.add.f32.msk $0xffff, v6;
	(pc) =	sbr.rel @p0 .LBB2_11-.Ltmp4, $4  }
0x1d1: {  	[tilespmem:s18+$0x140] =	vst.add.f32.msk $0xffff, v7  }
0x1d2: {  	[tilespmem:s18+$0x150] =	vst.add.f32.msk $0xffff, v9  }
0x1d3: {  	[tilespmem:s18+$0x160] =	vst.add.f32.msk $0xffff, v10  }
0x1d4: {  	[tilespmem:s18+$0x170] =	vst.add.f32.msk $0xffff, v8  }
0x1d5: {  	[tilespmem:s18+$0x180] =	vst.add.f32.msk $0xffff, v3  }
0x1d6: {  	[tilespmem:s18+$0x190] =	vst.add.f32.msk $0xffff, v4  }
0x1d7: {  	[tilespmem:s18+$0x1A0] =	vst.add.f32.msk $0xffff, v5  }
0x1d8: {  	[tilespmem:s18+$0x1B0] =	vst.add.f32.msk $0xffff, v6  }
0x1d9: {  	[tilespmem:s18+$0x1C0] =	vst.add.f32.msk $0xffff, v7  }
0x1da: {  	[tilespmem:s18+$0x1D0] =	vst.add.f32.msk $0xffff, v9  }
0x1db: {  	[tilespmem:s18+$0x1E0] =	vst.add.f32.msk $0xffff, v10  }
0x1dc: {  	v3 =	vld [tilespmem:s31+$0x1200]  }
0x1dd: {  	v4 =	vld [tilespmem:s31+$0x1210]  }
0x1de: {  	s0 =	simm.s32 $0x0;
	v5 =	vld [tilespmem:s31+$0x1220]  }
0x1df: {  	v8 =	vld [tilespmem:s31+$0x1270];
	s22 =	smul.u32 $0x6000, s0  }
0x1e0: {  	v6 =	vld [tilespmem:s31+$0x1230]  }
0x1e1: {  	s19 =	simm.s32 $0x0;
	v7 =	vld [tilespmem:s31+$0x1240];
	s0 =	sadd.s32 $0x2600, s2;
	s18 =	sshra.s32 s22, $0x2  }
0x1e2: {  	v9 =	vld [tilespmem:s31+$0x1250];
	s20 =	sand.u32 $0x200, s19;
	s18 =	sadd.s32 s18, s0  }
0x1e3: {  	v10 =	vld [tilespmem:s31+$0x1260];
	s18 =	sadd.s32 s20, s18  }
0x1e4: {  	[tilespmem:s18+$0x1F0] =	vst.add.f32.msk $0xffff, v8  }
0x1e5: {  	[tilespmem:s18+$0x0] =	vst.add.f32.msk $0xffff, v3  }
0x1e6: {  	[tilespmem:s18+$0x10] =	vst.add.f32.msk $0xffff, v4  }
0x1e7: {  	[tilespmem:s18+$0x20] =	vst.add.f32.msk $0xffff, v5  }
0x1e8: {  	[tilespmem:s18+$0x30] =	vst.add.f32.msk $0xffff, v6  }
0x1e9: {  	[tilespmem:s18+$0x40] =	vst.add.f32.msk $0xffff, v7  }
0x1ea: {  	[tilespmem:s18+$0x50] =	vst.add.f32.msk $0xffff, v9  }
0x1eb: {  	[tilespmem:s18+$0x60] =	vst.add.f32.msk $0xffff, v10  }
0x1ec: {  	[tilespmem:s18+$0x70] =	vst.add.f32.msk $0xffff, v8  }
0x1ed: {  	[tilespmem:s18+$0x80] =	vst.add.f32.msk $0xffff, v3  }
0x1ee: {  	[tilespmem:s18+$0x90] =	vst.add.f32.msk $0xffff, v4  }
0x1ef: {  	[tilespmem:s18+$0xA0] =	vst.add.f32.msk $0xffff, v5  }
0x1f0: {  	[tilespmem:s18+$0xB0] =	vst.add.f32.msk $0xffff, v6  }
0x1f1: {  	[tilespmem:s18+$0xC0] =	vst.add.f32.msk $0xffff, v7  }
0x1f2: {  	[tilespmem:s18+$0xD0] =	vst.add.f32.msk $0xffff, v9  }
0x1f3: {  	[tilespmem:s18+$0xE0] =	vst.add.f32.msk $0xffff, v10  }
0x1f4: {  	[tilespmem:s18+$0xF0] =	vst.add.f32.msk $0xffff, v8  }
0x1f5: {  	[tilespmem:s18+$0x100] =	vst.add.f32.msk $0xffff, v3  }
0x1f6: {  	[tilespmem:s18+$0x110] =	vst.add.f32.msk $0xffff, v4  }
0x1f7: {  	[tilespmem:s18+$0x120] =	vst.add.f32.msk $0xffff, v5  }
0x1f8: {  	[tilespmem:s18+$0x130] =	vst.add.f32.msk $0xffff, v6  }
0x1f9: {  	[tilespmem:s18+$0x140] =	vst.add.f32.msk $0xffff, v7  }
0x1fa: {  	[tilespmem:s18+$0x150] =	vst.add.f32.msk $0xffff, v9  }
0x1fb: {  	[tilespmem:s18+$0x160] =	vst.add.f32.msk $0xffff, v10  }
0x1fc: {  	s20 =	simm.s32 $0x0;
	[tilespmem:s18+$0x170] =	vst.add.f32.msk $0xffff, v8  }
.LBB2_13:
0x1fd: {  	s20 =	sadd.s32 $0x4, s20;
	[tilespmem:s18+$0x180] =	vst.add.f32.msk $0xffff, v3  }
0x1fe: {  	s21 =	sshrl.u32 s20, $0x3;
	p0 =	slt.u32 s20, $0x1C;
	[tilespmem:s18+$0x190] =	vst.add.f32.msk $0xffff, v4  }
0x1ff: {  	s21 =	smul.u32 $0x6000, s21;
	[tilespmem:s18+$0x1A0] =	vst.add.f32.msk $0xffff, v5  }
0x200: {  	[tilespmem:s18+$0x1B0] =	vst.add.f32.msk $0xffff, v6  }
0x201: {  	s19 =	sadd.s32 $0x200, s19;
	s21 =	sshra.s32 s21, $0x2;
	[tilespmem:s18+$0x1C0] =	vst.add.f32.msk $0xffff, v7  }
0x202: {  	s22 =	sand.u32 $0x200, s19;
	s21 =	sadd.s32 s21, s0;
	[tilespmem:s18+$0x1D0] =	vst.add.f32.msk $0xffff, v9  }
0x203: {  	[tilespmem:s18+$0x1E0] =	vst.add.f32.msk $0xffff, v10;
	s18 =	sadd.s32 s22, s21  }
0x204: {  	[tilespmem:s18+$0x1F0] =	vst.add.f32.msk $0xffff, v8  }
0x205: {  	[tilespmem:s18+$0x0] =	vst.add.f32.msk $0xffff, v3  }
0x206: {  	[tilespmem:s18+$0x10] =	vst.add.f32.msk $0xffff, v4  }
0x207: {  	[tilespmem:s18+$0x20] =	vst.add.f32.msk $0xffff, v5  }
0x208: {  	[tilespmem:s18+$0x30] =	vst.add.f32.msk $0xffff, v6  }
0x209: {  	[tilespmem:s18+$0x40] =	vst.add.f32.msk $0xffff, v7  }
0x20a: {  	[tilespmem:s18+$0x50] =	vst.add.f32.msk $0xffff, v9  }
0x20b: {  	[tilespmem:s18+$0x60] =	vst.add.f32.msk $0xffff, v10  }
0x20c: {  	[tilespmem:s18+$0x70] =	vst.add.f32.msk $0xffff, v8  }
0x20d: {  	[tilespmem:s18+$0x80] =	vst.add.f32.msk $0xffff, v3  }
0x20e: {  	[tilespmem:s18+$0x90] =	vst.add.f32.msk $0xffff, v4  }
0x20f: {  	[tilespmem:s18+$0xA0] =	vst.add.f32.msk $0xffff, v5  }
0x210: {  	[tilespmem:s18+$0xB0] =	vst.add.f32.msk $0xffff, v6  }
0x211: {  	[tilespmem:s18+$0xC0] =	vst.add.f32.msk $0xffff, v7  }
0x212: {  	[tilespmem:s18+$0xD0] =	vst.add.f32.msk $0xffff, v9  }
0x213: {  	[tilespmem:s18+$0xE0] =	vst.add.f32.msk $0xffff, v10  }
0x214: {  	[tilespmem:s18+$0xF0] =	vst.add.f32.msk $0xffff, v8  }
0x215: {  	[tilespmem:s18+$0x100] =	vst.add.f32.msk $0xffff, v3  }
0x216: {  	[tilespmem:s18+$0x110] =	vst.add.f32.msk $0xffff, v4  }
0x217: {  	[tilespmem:s18+$0x120] =	vst.add.f32.msk $0xffff, v5  }
.Ltmp5:
0x218: {  	[tilespmem:s18+$0x130] =	vst.add.f32.msk $0xffff, v6;
	(pc) =	sbr.rel @p0 .LBB2_13-.Ltmp5, $4  }
0x219: {  	[tilespmem:s18+$0x140] =	vst.add.f32.msk $0xffff, v7  }
0x21a: {  	[tilespmem:s18+$0x150] =	vst.add.f32.msk $0xffff, v9  }
0x21b: {  	[tilespmem:s18+$0x160] =	vst.add.f32.msk $0xffff, v10  }
0x21c: {  	[tilespmem:s18+$0x170] =	vst.add.f32.msk $0xffff, v8  }
0x21d: {  	[tilespmem:s18+$0x180] =	vst.add.f32.msk $0xffff, v3  }
0x21e: {  	[tilespmem:s18+$0x190] =	vst.add.f32.msk $0xffff, v4  }
0x21f: {  	[tilespmem:s18+$0x1A0] =	vst.add.f32.msk $0xffff, v5  }
0x220: {  	[tilespmem:s18+$0x1B0] =	vst.add.f32.msk $0xffff, v6  }
0x221: {  	[tilespmem:s18+$0x1C0] =	vst.add.f32.msk $0xffff, v7  }
0x222: {  	[tilespmem:s18+$0x1D0] =	vst.add.f32.msk $0xffff, v9  }
0x223: {  	[tilespmem:s18+$0x1E0] =	vst.add.f32.msk $0xffff, v10  }
0x224: {  	v3 =	vld [tilespmem:s31+$0x1400]  }
0x225: {  	v4 =	vld [tilespmem:s31+$0x1410]  }
0x226: {  	s0 =	simm.s32 $0x0;
	v5 =	vld [tilespmem:s31+$0x1420]  }
0x227: {  	v10 =	vld [tilespmem:s31+$0x1470];
	s19 =	smul.u32 $0x6000, s0  }
0x228: {  	v6 =	vld [tilespmem:s31+$0x1430]  }
0x229: {  	s18 =	simm.s32 $0x0;
	v7 =	vld [tilespmem:s31+$0x1440];
	s0 =	sadd.s32 $0x2A00, s2;
	s21 =	sshra.s32 s19, $0x2  }
0x22a: {  	v8 =	vld [tilespmem:s31+$0x1450];
	s22 =	sand.u32 $0x200, s18;
	s2 =	sadd.s32 s21, s0  }
0x22b: {  	v9 =	vld [tilespmem:s31+$0x1460];
	s2 =	sadd.s32 s22, s2  }
0x22c: {  	[tilespmem:s2+$0x1F0] =	vst.add.f32.msk $0xffff, v10  }
0x22d: {  	[tilespmem:s2+$0x0] =	vst.add.f32.msk $0xffff, v3  }
0x22e: {  	[tilespmem:s2+$0x10] =	vst.add.f32.msk $0xffff, v4  }
0x22f: {  	[tilespmem:s2+$0x20] =	vst.add.f32.msk $0xffff, v5  }
0x230: {  	[tilespmem:s2+$0x30] =	vst.add.f32.msk $0xffff, v6  }
0x231: {  	[tilespmem:s2+$0x40] =	vst.add.f32.msk $0xffff, v7  }
0x232: {  	[tilespmem:s2+$0x50] =	vst.add.f32.msk $0xffff, v8  }
0x233: {  	[tilespmem:s2+$0x60] =	vst.add.f32.msk $0xffff, v9  }
0x234: {  	[tilespmem:s2+$0x70] =	vst.add.f32.msk $0xffff, v10  }
0x235: {  	[tilespmem:s2+$0x80] =	vst.add.f32.msk $0xffff, v3  }
0x236: {  	[tilespmem:s2+$0x90] =	vst.add.f32.msk $0xffff, v4  }
0x237: {  	[tilespmem:s2+$0xA0] =	vst.add.f32.msk $0xffff, v5  }
0x238: {  	[tilespmem:s2+$0xB0] =	vst.add.f32.msk $0xffff, v6  }
0x239: {  	[tilespmem:s2+$0xC0] =	vst.add.f32.msk $0xffff, v7  }
0x23a: {  	[tilespmem:s2+$0xD0] =	vst.add.f32.msk $0xffff, v8  }
0x23b: {  	[tilespmem:s2+$0xE0] =	vst.add.f32.msk $0xffff, v9  }
0x23c: {  	[tilespmem:s2+$0xF0] =	vst.add.f32.msk $0xffff, v10  }
0x23d: {  	[tilespmem:s2+$0x100] =	vst.add.f32.msk $0xffff, v3  }
0x23e: {  	[tilespmem:s2+$0x110] =	vst.add.f32.msk $0xffff, v4  }
0x23f: {  	[tilespmem:s2+$0x120] =	vst.add.f32.msk $0xffff, v5  }
0x240: {  	[tilespmem:s2+$0x130] =	vst.add.f32.msk $0xffff, v6  }
0x241: {  	[tilespmem:s2+$0x140] =	vst.add.f32.msk $0xffff, v7  }
0x242: {  	[tilespmem:s2+$0x150] =	vst.add.f32.msk $0xffff, v8  }
0x243: {  	[tilespmem:s2+$0x160] =	vst.add.f32.msk $0xffff, v9  }
0x244: {  	s19 =	simm.s32 $0x0;
	[tilespmem:s2+$0x170] =	vst.add.f32.msk $0xffff, v10  }
.LBB2_15:
0x245: {  	s19 =	sadd.s32 $0x4, s19;
	[tilespmem:s2+$0x180] =	vst.add.f32.msk $0xffff, v3  }
0x246: {  	s20 =	sshrl.u32 s19, $0x3;
	p0 =	slt.u32 s19, $0x1C;
	[tilespmem:s2+$0x190] =	vst.add.f32.msk $0xffff, v4  }
0x247: {  	s20 =	smul.u32 $0x6000, s20;
	[tilespmem:s2+$0x1A0] =	vst.add.f32.msk $0xffff, v5  }
0x248: {  	[tilespmem:s2+$0x1B0] =	vst.add.f32.msk $0xffff, v6  }
0x249: {  	s18 =	sadd.s32 $0x200, s18;
	s20 =	sshra.s32 s20, $0x2;
	[tilespmem:s2+$0x1C0] =	vst.add.f32.msk $0xffff, v7  }
0x24a: {  	s21 =	sand.u32 $0x200, s18;
	s20 =	sadd.s32 s20, s0;
	[tilespmem:s2+$0x1D0] =	vst.add.f32.msk $0xffff, v8  }
0x24b: {  	[tilespmem:s2+$0x1E0] =	vst.add.f32.msk $0xffff, v9;
	s2 =	sadd.s32 s21, s20  }
0x24c: {  	[tilespmem:s2+$0x1F0] =	vst.add.f32.msk $0xffff, v10  }
0x24d: {  	[tilespmem:s2+$0x0] =	vst.add.f32.msk $0xffff, v3  }
0x24e: {  	[tilespmem:s2+$0x10] =	vst.add.f32.msk $0xffff, v4  }
0x24f: {  	[tilespmem:s2+$0x20] =	vst.add.f32.msk $0xffff, v5  }
0x250: {  	[tilespmem:s2+$0x30] =	vst.add.f32.msk $0xffff, v6  }
0x251: {  	[tilespmem:s2+$0x40] =	vst.add.f32.msk $0xffff, v7  }
0x252: {  	[tilespmem:s2+$0x50] =	vst.add.f32.msk $0xffff, v8  }
0x253: {  	[tilespmem:s2+$0x60] =	vst.add.f32.msk $0xffff, v9  }
0x254: {  	[tilespmem:s2+$0x70] =	vst.add.f32.msk $0xffff, v10  }
0x255: {  	[tilespmem:s2+$0x80] =	vst.add.f32.msk $0xffff, v3  }
0x256: {  	[tilespmem:s2+$0x90] =	vst.add.f32.msk $0xffff, v4  }
0x257: {  	[tilespmem:s2+$0xA0] =	vst.add.f32.msk $0xffff, v5  }
0x258: {  	[tilespmem:s2+$0xB0] =	vst.add.f32.msk $0xffff, v6  }
0x259: {  	[tilespmem:s2+$0xC0] =	vst.add.f32.msk $0xffff, v7  }
0x25a: {  	[tilespmem:s2+$0xD0] =	vst.add.f32.msk $0xffff, v8  }
0x25b: {  	[tilespmem:s2+$0xE0] =	vst.add.f32.msk $0xffff, v9  }
0x25c: {  	[tilespmem:s2+$0xF0] =	vst.add.f32.msk $0xffff, v10  }
0x25d: {  	[tilespmem:s2+$0x100] =	vst.add.f32.msk $0xffff, v3  }
0x25e: {  	[tilespmem:s2+$0x110] =	vst.add.f32.msk $0xffff, v4  }
0x25f: {  	[tilespmem:s2+$0x120] =	vst.add.f32.msk $0xffff, v5  }
.Ltmp6:
0x260: {  	[tilespmem:s2+$0x130] =	vst.add.f32.msk $0xffff, v6;
	(pc) =	sbr.rel @p0 .LBB2_15-.Ltmp6, $4  }
0x261: {  	[tilespmem:s2+$0x140] =	vst.add.f32.msk $0xffff, v7  }
0x262: {  	[tilespmem:s2+$0x150] =	vst.add.f32.msk $0xffff, v8  }
0x263: {  	[tilespmem:s2+$0x160] =	vst.add.f32.msk $0xffff, v9  }
0x264: {  	[tilespmem:s2+$0x170] =	vst.add.f32.msk $0xffff, v10  }
0x265: {  	[tilespmem:s2+$0x180] =	vst.add.f32.msk $0xffff, v3  }
0x266: {  	[tilespmem:s2+$0x190] =	vst.add.f32.msk $0xffff, v4;
	s0 =	smul.u32 $0xC0000, s28;
	s28 =	sadd.s32 $0x1, s28  }
0x267: {  	[tilespmem:s2+$0x1A0] =	vst.add.f32.msk $0xffff, v5;
	p0 =	sne.s32 s28, $0x4D  }
.Ltmp7:
0x268: {  	[tilespmem:s2+$0x1B0] =	vst.add.f32.msk $0xffff, v6;
	(pc) =	sbr.rel @p0 .LBB2_2-.Ltmp7, $4  }
0x269: {  	[tilespmem:s2+$0x1C0] =	vst.add.f32.msk $0xffff, v7;
	s0 =	sadd.s32 s10, s0  }
0x26a: {  	[tilespmem:s2+$0x1D0] =	vst.add.f32.msk $0xffff, v8;
	s0 =	sshrl.u32 s0, $0x3  }
0x26b: {  	[tilespmem:s2+$0x1E0] =	vst.add.f32.msk $0xffff, v9;
	s31 =	sadd.s32 $0x9, s29;
	s0 =	sadd.s32 s4, s0  }
0x26c: {  	[hbm4b:s0+s5] =	stream.linear.scatter [tilespmem:s30], [sflag:s31], $0x6000, $0x38;
	[tilespmem:$0x19600] =	vst v63  }
0x26d: {  	s26 =	sadd.s32 $0x1, s26  }
0x26e: {  	_ =	swait.ge [sflag:s24], $0x6000;
	p0 =	sne.s32 s26, s11  }
.Ltmp8:
0x26f: {  	[sflag:s24] =	ssyncset.done $0x0;
	(pc) =	sbr.rel @p0 .LBB2_1-.Ltmp8, $4  }
0x270: {  	[sflag:s24] =	ssyncadd.s32 $0xFFFFA000  }
0x271: {  	_ =	swait.ge [sflag:s25], $0x6000  }
0x272: {  	[sflag:s25] =	ssyncset.done $0x0  }
0x273: {  	[sflag:s25] =	ssyncadd.s32 $0xFFFFA000  }
0x274: {  	_ =	sfence.sel $0x180000  }
0x275: {  	[bflag:$0x0] =	sbarrier.arrive $0xFFFF  }
0x276: {  	_ =	strace $0x90000047  }
0x277: {  	s0 =	stileid.u32;
	[bflag:$0x2] =	sbarrier.arrive $0xFFFF  }
0x278: {  	p0 =	sne.s32 s0, $0x0;
	s0 =	rddreg [dreg:$0x4]  }
0x279: {  	s0 =	sadd.s32 @!p0 $0x100000, s0  }
0x27a: {  	[sflag:s0] =	ssyncadd.tile.s32 @!p0 $0x1;
	_ =	shalt  }
.Lfunc_end2:
_tile_overlayer_lowered:
.L_overlay_start_2:
0x27b: {  	(tag) =	ssettag $0x2  }
0x27c: {  	s0 =	rddreg [dreg:$0x0];
	s2 =	stileid.u32  }
0x27d: {  	s1 =	rddreg [dreg:$0x1];
	p0 =	sne.s32 s2, $0x0  }
0x27e: {  	s3 =	rddreg [dreg:$0x2];
	[bflag:$0x3] =	sbarrier.arrive $0xFFFF;
	s2 =	simm.s32 @!p0 $0x1C0D  }
0x27f: {  	[timem:s3], [sflag:s2] =	dma.local @!p0 [hbm:s0], s1  }
0x280: {  	s0 =	simm.s32 @!p0 $0xD  }
0x281: {  	_ =	swait.ge @!p0 [sflag:s0], s1  }
0x282: {  	s1 =	ssub.s32 @!p0 $0x0, s1;
	[sflag:s0] =	ssyncset.done @!p0 $0x0  }
0x283: {  	[sflag:s0] =	ssyncadd.s32 @!p0 s1  }
0x284: {  	[bflag:$0x3] =	sbarrier.arrive $0xFFFF  }
0x285: {  	_ =	shalt  }

</sc_bundles>
